<compile_context>
chip_gen: v7x
topology: tpu7x:2x2x1
jax: 0.10.2.dev20260603
libtpu: 0.0.44.dev20260713+nightly
codegen_flags: <defaults>
</compile_context>

<pallas_src>
import jax
import jax.numpy as jnp
from jax import lax
from jax.experimental import pallas as pl
from jax.experimental.pallas import tpu as pltpu
from jax.experimental.pallas import tpu_sc as plsc

EMBED = 100
STATE = 200
LANES = 16
NSUB = 16
NPER = 8
HALF = STATE // 2
USER_SLOT = 0
CHUNKS = (0, 16, 32, 48, 64, 80, 84)


def _sc_body(gidx_hbm, w_hbm, bias_hbm, utabT_hbm, gtabT_hbm, out_hbm,
             idx_v, w_v, bias_v, col_a, col_b, col_c, col_d, ucol_v, acc_v,
             tot_v, out_v, shared, sem_a, sem_b, sem_c, sem_d, sem_u):
    cid = lax.axis_index("c")
    sid = lax.axis_index("s")
    iota = lax.iota(jnp.int32, LANES)

    base = (cid * NSUB + sid) * NPER
    base = pl.multiple_of(base, 8)
    pltpu.sync_copy(gidx_hbm.at[pl.ds(base, LANES)], idx_v)
    pltpu.sync_copy(w_hbm.at[pl.ds(base, LANES)], w_v)

    idx = idx_v[...]
    wvec = w_v[...]

    def _lane(vec, r, zero):
        return jnp.sum(jnp.where(iota == r, vec, zero))

    blks = [pl.multiple_of(_lane(lax.bitwise_and(idx, jnp.int32(~127)), r, 0),
                           128) for r in range(NPER)]
    lanes = [_lane(lax.bitwise_and(idx, 127), r, 0) for r in range(NPER)]
    ws = [_lane(wvec, r, 0.0) for r in range(NPER)]

    @pl.when(sid == NSUB - 1)
    def _():
        pltpu.async_copy(utabT_hbm.at[:, pl.ds(blks[USER_SLOT], 128)],
                         ucol_v, sem_u)

    bufs = (col_a, col_b, col_c, col_d)
    sems = (sem_a, sem_b, sem_c, sem_d)
    nbuf = len(bufs)

    def _start(r):
        return pltpu.async_copy(
            gtabT_hbm.at[:, pl.ds(blks[r], 128)], bufs[r % nbuf],
            sems[r % nbuf])

    evecs = [o + iota for o in CHUNKS]
    accs = [jnp.zeros((LANES,), jnp.float32) for _ in CHUNKS]
    inflight = [_start(r) for r in range(min(nbuf - 1, NPER))]
    for r in range(NPER):
        if r + nbuf - 1 < NPER:
            inflight.append(_start(r + nbuf - 1))
        inflight.pop(0).wait()
        lvec = jnp.full((LANES,), lanes[r], jnp.int32)
        buf = bufs[r % nbuf]
        for ci in range(len(CHUNKS)):
            val = plsc.load_gather(buf, [evecs[ci], lvec])
            accs[ci] = accs[ci] + val * ws[r]
    for ci, o in enumerate(CHUNKS):
        acc_v[0, pl.ds(o, LANES)] = accs[ci]

    pltpu.sync_copy(acc_v, shared.at[pl.ds(sid, 1)])
    plsc.subcore_barrier()

    @pl.when(sid == NSUB - 1)
    def _():
        pltpu.sync_copy(shared, tot_v)
        pltpu.sync_copy(bias_hbm, bias_v)
        pltpu.make_async_copy(utabT_hbm.at[:, pl.ds(blks[USER_SLOT], 128)],
                              ucol_v, sem_u).wait()
        bias = jnp.where(cid == 0, 1.0, 0.0) * bias_v[...]
        ulvec = jnp.full((LANES,), lanes[USER_SLOT], jnp.int32)
        for ci, o in enumerate(CHUNKS):
            tot = jnp.zeros((LANES,), jnp.float32)
            for r in range(NSUB):
                tot = tot + tot_v[r, pl.ds(o, LANES)]
            wav = tot * (1.0 / EMBED) + bias
            uev = plsc.load_gather(ucol_v, [evecs[ci], ulvec])
            out_v[0, pl.ds(o, LANES)] = uev
            out_v[1, pl.ds(o, LANES)] = uev * wav
            out_v[2, pl.ds(o, LANES)] = wav
        pltpu.sync_copy(out_v, out_hbm.at[cid])


@jax.jit
def _sc_call(gidx, w, bias16, user_table, game_table):
    utabT = user_table.T
    gtabT = game_table.T
    mesh = plsc.VectorSubcoreMesh(core_axis_name="c", subcore_axis_name="s",
                                  num_cores=2, num_subcores=NSUB)
    out = pl.kernel(
        _sc_body,
        out_type=jax.ShapeDtypeStruct((2, 3, 128), jnp.float32),
        mesh=mesh,
        compiler_params=pltpu.CompilerParams(needs_layout_passes=False),
        scratch_types=[
            pltpu.VMEM((LANES,), jnp.int32),
            pltpu.VMEM((LANES,), jnp.float32),
            pltpu.VMEM((LANES,), jnp.float32),
            pltpu.VMEM((EMBED, 128), jnp.float32),
            pltpu.VMEM((EMBED, 128), jnp.float32),
            pltpu.VMEM((EMBED, 128), jnp.float32),
            pltpu.VMEM((EMBED, 128), jnp.float32),
            pltpu.VMEM((EMBED, 128), jnp.float32),
            pltpu.VMEM((1, 128), jnp.float32),
            pltpu.VMEM((NSUB, 128), jnp.float32),
            pltpu.VMEM((3, 128), jnp.float32),
            pltpu.VMEM_SHARED((NSUB, 128), jnp.float32),
            pltpu.SemaphoreType.DMA,
            pltpu.SemaphoreType.DMA,
            pltpu.SemaphoreType.DMA,
            pltpu.SemaphoreType.DMA,
            pltpu.SemaphoreType.DMA,
        ],
    )(gidx, w, bias16, utabT, gtabT)
    return out


def kernel(user, games, user_table, game_table, wav_w, wav_b):
    games = games.astype(jnp.int32)
    user = user.astype(jnp.int32)
    wflat = wav_w.reshape(STATE).astype(jnp.float32)
    gidx = jnp.zeros((2 * NSUB * NPER + LANES,), jnp.int32)
    gidx = gidx.at[:HALF].set(games[:HALF])
    gidx = gidx.at[128:128 + HALF].set(games[HALF:])
    gidx = gidx.at[120].set(user).at[248].set(user)
    w = jnp.zeros((2 * NSUB * NPER + LANES,), jnp.float32)
    w = w.at[:HALF].set(wflat[:HALF])
    w = w.at[128:128 + HALF].set(wflat[HALF:])
    bias16 = jnp.broadcast_to(wav_b.astype(jnp.float32), (LANES,))
    out = _sc_call(gidx, w, bias16, user_table, game_table)
    combined = jnp.concatenate(
        [out[0, :1], out[0, 1:] + out[1, 1:]], axis=0)
    return combined[:, :EMBED].reshape(1, 3 * EMBED)

# --- scband reference (transcript-rebuilt; emitter-appended) ---
"""Pipeline reference for scband-state-representation-32323923869833 (READ-ONLY COPY).

The authoritative reference and input builder live on the scoring server;
editing this copy changes nothing except your own understanding.
"""

import jax, jax.numpy as jnp
import numpy as np

USERS_NUM = 1000000
ITEMS_NUM = 1000000
STATE_SIZE = 200
EMBED_DIM = 100


def setup_inputs(seed: int = 0) -> dict:
    key = jax.random.key(seed)
    k1, k2, k3, k4, k5 = jax.random.split(key, 5)
    # user is a 0-d index (DRR-style per-state representation)
    user = jax.random.randint(k1, (), 0, USERS_NUM)
    games = jax.random.randint(k2, (STATE_SIZE,), 0, ITEMS_NUM)
    # parameters, initialized as in StateRepresentation.initialize()
    user_table = 0.01 * jax.random.normal(k3, (USERS_NUM, EMBED_DIM), dtype=jnp.float32)
    game_table = 0.01 * jax.random.normal(k4, (ITEMS_NUM, EMBED_DIM), dtype=jnp.float32)
    # xavier_uniform for Conv1d weight of shape (out_ch=1, in_ch=STATE_SIZE, k=1)
    bound = float(np.sqrt(6.0 / (STATE_SIZE * 1 + 1 * 1)))
    wav_w = jax.random.uniform(k5, (1, STATE_SIZE, 1), minval=-bound, maxval=bound, dtype=jnp.float32)
    wav_b = jnp.zeros((1,), dtype=jnp.float32)
    return {"user": user, "games": games, "user_table": user_table,
            "game_table": game_table, "wav_w": wav_w, "wav_b": wav_b}


def reference(user, games, user_table, game_table, wav_w, wav_b):
    # user_embedding(user).unsqueeze(0): 0-d idx -> [E] -> [1, E]
    ue = jnp.take(user_table, user, axis=0)[None, :]
    # game_embedding(games).unsqueeze(0): [S] idx -> [S, E] -> [1, S, E]
    ge = jnp.take(game_table, games, axis=0)[None, :, :]
    ge = ge / EMBED_DIM
    # Conv1d(state_size, 1, kernel=1): [1, S, E] -> [1, 1, E]
    wav = jnp.einsum('ncl,oc->nol', ge, wav_w[:, :, 0]) + wav_b[None, :, None]
    wav = wav[:, 0, :]  # squeeze(1) -> [1, E]
    user_wav = ue * wav  # [1, E]
    concat = jnp.concatenate([ue, user_wav, wav], axis=1)  # [1, 3E]
    return concat.reshape(concat.shape[0], -1)

if __name__ == "__main__":
    import jax
    _d = setup_inputs()
    print(jax.jit(kernel)(*tuple(_d.values())))

</pallas_src>

<mosaic_0001>
#map = affine_map<(d0, d1) -> (0)>
#map1 = affine_map<(d0, d1) -> (0, 0)>
#map2 = affine_map<(d0, d1) -> (0, 0, 0)>
module attributes {stable_mosaic.version = 14 : i64} {
  func.func @_sc_body(%arg0: i32, %arg1: i32, %arg2: memref<272xi32, #tpu.memory_space<hbm>>, %arg3: memref<272xf32, #tpu.memory_space<hbm>>, %arg4: memref<16xf32, #tpu.memory_space<hbm>>, %arg5: memref<100x1000000xf32, #tpu.memory_space<hbm>>, %arg6: memref<100x1000000xf32, #tpu.memory_space<hbm>>, %arg7: memref<2x3x128xf32, #tpu.memory_space<hbm>>, %arg8: memref<16xi32, #tpu.memory_space<vmem>>, %arg9: memref<16xf32, #tpu.memory_space<vmem>>, %arg10: memref<16xf32, #tpu.memory_space<vmem>>, %arg11: memref<100x128xf32, #tpu.memory_space<vmem>>, %arg12: memref<100x128xf32, #tpu.memory_space<vmem>>, %arg13: memref<100x128xf32, #tpu.memory_space<vmem>>, %arg14: memref<100x128xf32, #tpu.memory_space<vmem>>, %arg15: memref<100x128xf32, #tpu.memory_space<vmem>>, %arg16: memref<1x128xf32, #tpu.memory_space<vmem>>, %arg17: memref<16x128xf32, #tpu.memory_space<vmem>>, %arg18: memref<3x128xf32, #tpu.memory_space<vmem>>, %arg19: memref<16x128xf32, #tpu.memory_space<vmem_shared>>, %arg20: memref<!tpu.dma_semaphore, #tpu.memory_space<semaphore_mem>>, %arg21: memref<!tpu.dma_semaphore, #tpu.memory_space<semaphore_mem>>, %arg22: memref<!tpu.dma_semaphore, #tpu.memory_space<semaphore_mem>>, %arg23: memref<!tpu.dma_semaphore, #tpu.memory_space<semaphore_mem>>, %arg24: memref<!tpu.dma_semaphore, #tpu.memory_space<semaphore_mem>>) attributes {dimension_semantics = [#tpu.dimension_semantics<core_parallel>, #tpu.dimension_semantics<subcore_parallel>], iteration_bounds = array<i64: 2, 16>, scalar_prefetch = 0 : i64, scratch_operands = 17 : i64, tpu.core_type = #tpu.core_type<sc_vector_subcore>, window_params = [{transform_indices = #map}, {transform_indices = #map}, {transform_indices = #map}, {transform_indices = #map1}, {transform_indices = #map1}, {transform_indices = #map2}]} {
    %iota3A = tpu.iota {dimensions = array<i32: 0>} : vector<16xi32>
    %mul3A = arith.constant 16 : i32
    %mul3A_0 = arith.muli %arg0, %mul3A : i32
    %add3A = arith.addi %mul3A_0, %arg1 : i32
    %mul3A_1 = arith.constant 8 : i32
    %mul3A_2 = arith.muli %add3A, %mul3A_1 : i32
    %multiple_of3A = tpu.assume_multiple %mul3A_2, 8 : i32
    "tpu.region"() ({
      %run_scoped3A = tpu.sem_alloc : memref<!tpu.dma_semaphore, #tpu.memory_space<semaphore_mem>>
      %dma_start3A_659 = tpu.memref_slice %arg2[%multiple_of3A] : memref<272xi32, #tpu.memory_space<hbm>> -> memref<16xi32, #tpu.memory_space<hbm>>
      %dma_start3A_660 = tpu.memref_slice %arg2[%multiple_of3A] : memref<272xi32, #tpu.memory_space<hbm>> -> memref<16xi32, #tpu.memory_space<hbm>>
      tpu.enqueue_dma source(%dma_start3A_660 : memref<16xi32, #tpu.memory_space<hbm>>) target(%arg8 : memref<16xi32, #tpu.memory_space<vmem>>) target_semaphore(%run_scoped3A : memref<!tpu.dma_semaphore, #tpu.memory_space<semaphore_mem>>)
      %dma_wait3A_661 = tpu.memref_slice %arg2[%multiple_of3A] : memref<272xi32, #tpu.memory_space<hbm>> -> memref<16xi32, #tpu.memory_space<hbm>>
      %dma_wait3A_662 = tpu.memref_slice %arg2[%multiple_of3A] : memref<272xi32, #tpu.memory_space<hbm>> -> memref<16xi32, #tpu.memory_space<hbm>>
      tpu.wait_dma2 semaphore(%run_scoped3A : memref<!tpu.dma_semaphore, #tpu.memory_space<semaphore_mem>>) src(%dma_wait3A_662 : memref<16xi32, #tpu.memory_space<hbm>>) dst(%arg8 : memref<16xi32, #tpu.memory_space<vmem>>)
      tpu.yield
    }) : () -> ()
    "tpu.region"() ({
      %run_scoped3A = tpu.sem_alloc : memref<!tpu.dma_semaphore, #tpu.memory_space<semaphore_mem>>
      %dma_start3A_659 = tpu.memref_slice %arg3[%multiple_of3A] : memref<272xf32, #tpu.memory_space<hbm>> -> memref<16xf32, #tpu.memory_space<hbm>>
      %dma_start3A_660 = tpu.memref_slice %arg3[%multiple_of3A] : memref<272xf32, #tpu.memory_space<hbm>> -> memref<16xf32, #tpu.memory_space<hbm>>
      tpu.enqueue_dma source(%dma_start3A_660 : memref<16xf32, #tpu.memory_space<hbm>>) target(%arg9 : memref<16xf32, #tpu.memory_space<vmem>>) target_semaphore(%run_scoped3A : memref<!tpu.dma_semaphore, #tpu.memory_space<semaphore_mem>>)
      %dma_wait3A_661 = tpu.memref_slice %arg3[%multiple_of3A] : memref<272xf32, #tpu.memory_space<hbm>> -> memref<16xf32, #tpu.memory_space<hbm>>
      %dma_wait3A_662 = tpu.memref_slice %arg3[%multiple_of3A] : memref<272xf32, #tpu.memory_space<hbm>> -> memref<16xf32, #tpu.memory_space<hbm>>
      tpu.wait_dma2 semaphore(%run_scoped3A : memref<!tpu.dma_semaphore, #tpu.memory_space<semaphore_mem>>) src(%dma_wait3A_662 : memref<16xf32, #tpu.memory_space<hbm>>) dst(%arg9 : memref<16xf32, #tpu.memory_space<vmem>>)
      tpu.yield
    }) : () -> ()
    %get3A = arith.constant 0 : index
    %get3A_3 = tpu.vector_load %arg8[%get3A] {strides = array<i32>} : memref<16xi32, #tpu.memory_space<vmem>>, vector<16xi32>,
    %get3A_4 = arith.constant 0 : index
    %get3A_5 = tpu.vector_load %arg9[%get3A_4] {strides = array<i32>} : memref<16xf32, #tpu.memory_space<vmem>>, vector<16xf32>,
    %and3A = arith.constant -128 : i32
    %and3A_6 = vector.broadcast %and3A : i32 to vector<16xi32>
    %and3A_7 = arith.andi %get3A_3, %and3A_6 : vector<16xi32>
    %eq3A = arith.constant 0 : i32
    %eq3A_8 = vector.broadcast %eq3A : i32 to vector<16xi32>
    %eq3A_9 = arith.cmpi eq, %iota3A, %eq3A_8 : vector<16xi32>
    %jit3A = arith.constant 0 : i32
    %broadcast_in_dim3A = vector.broadcast %jit3A : i32 to vector<16xi32>
    %select_n3A = arith.select %eq3A_9, %and3A_7, %broadcast_in_dim3A : vector<16xi1>, vector<16xi32>
    %reduce_sum3A = arith.constant true
    %reduce_sum3A_10 = vector.broadcast %reduce_sum3A : i1 to vector<16xi1>
    %reduce_sum3A_11 = tpu.scan <sum>, %select_n3A masked %reduce_sum3A_10 : vector<16xi32>, vector<16xi1> -> vector<16xi32>
    %reduce_sum3A_12 = vector.extract %reduce_sum3A_11[15] : i32 from vector<16xi32>
    %multiple_of3A_13 = tpu.assume_multiple %reduce_sum3A_12, 128 : i32
    %and3A_14 = arith.constant -128 : i32
    %and3A_15 = vector.broadcast %and3A_14 : i32 to vector<16xi32>
    %and3A_16 = arith.andi %get3A_3, %and3A_15 : vector<16xi32>
    %eq3A_17 = arith.constant 1 : i32
    %eq3A_18 = vector.broadcast %eq3A_17 : i32 to vector<16xi32>
    %eq3A_19 = arith.cmpi eq, %iota3A, %eq3A_18 : vector<16xi32>
    %jit3A_20 = arith.constant 0 : i32
    %broadcast_in_dim3A_21 = vector.broadcast %jit3A_20 : i32 to vector<16xi32>
    %select_n3A_22 = arith.select %eq3A_19, %and3A_16, %broadcast_in_dim3A_21 : vector<16xi1>, vector<16xi32>
    %reduce_sum3A_23 = arith.constant true
    %reduce_sum3A_24 = vector.broadcast %reduce_sum3A_23 : i1 to vector<16xi1>
    %reduce_sum3A_25 = tpu.scan <sum>, %select_n3A_22 masked %reduce_sum3A_24 : vector<16xi32>, vector<16xi1> -> vector<16xi32>
    %reduce_sum3A_26 = vector.extract %reduce_sum3A_25[15] : i32 from vector<16xi32>
    %multiple_of3A_27 = tpu.assume_multiple %reduce_sum3A_26, 128 : i32
    %and3A_28 = arith.constant -128 : i32
    %and3A_29 = vector.broadcast %and3A_28 : i32 to vector<16xi32>
    %and3A_30 = arith.andi %get3A_3, %and3A_29 : vector<16xi32>
    %eq3A_31 = arith.constant 2 : i32
    %eq3A_32 = vector.broadcast %eq3A_31 : i32 to vector<16xi32>
    %eq3A_33 = arith.cmpi eq, %iota3A, %eq3A_32 : vector<16xi32>
    %jit3A_34 = arith.constant 0 : i32
    %broadcast_in_dim3A_35 = vector.broadcast %jit3A_34 : i32 to vector<16xi32>
    %select_n3A_36 = arith.select %eq3A_33, %and3A_30, %broadcast_in_dim3A_35 : vector<16xi1>, vector<16xi32>
    %reduce_sum3A_37 = arith.constant true
    %reduce_sum3A_38 = vector.broadcast %reduce_sum3A_37 : i1 to vector<16xi1>
    %reduce_sum3A_39 = tpu.scan <sum>, %select_n3A_36 masked %reduce_sum3A_38 : vector<16xi32>, vector<16xi1> -> vector<16xi32>
    %reduce_sum3A_40 = vector.extract %reduce_sum3A_39[15] : i32 from vector<16xi32>
    %multiple_of3A_41 = tpu.assume_multiple %reduce_sum3A_40, 128 : i32
    %and3A_42 = arith.constant -128 : i32
    %and3A_43 = vector.broadcast %and3A_42 : i32 to vector<16xi32>
    %and3A_44 = arith.andi %get3A_3, %and3A_43 : vector<16xi32>
    %eq3A_45 = arith.constant 3 : i32
    %eq3A_46 = vector.broadcast %eq3A_45 : i32 to vector<16xi32>
    %eq3A_47 = arith.cmpi eq, %iota3A, %eq3A_46 : vector<16xi32>
    %jit3A_48 = arith.constant 0 : i32
    %broadcast_in_dim3A_49 = vector.broadcast %jit3A_48 : i32 to vector<16xi32>
    %select_n3A_50 = arith.select %eq3A_47, %and3A_44, %broadcast_in_dim3A_49 : vector<16xi1>, vector<16xi32>
    %reduce_sum3A_51 = arith.constant true
    %reduce_sum3A_52 = vector.broadcast %reduce_sum3A_51 : i1 to vector<16xi1>
    %reduce_sum3A_53 = tpu.scan <sum>, %select_n3A_50 masked %reduce_sum3A_52 : vector<16xi32>, vector<16xi1> -> vector<16xi32>
    %reduce_sum3A_54 = vector.extract %reduce_sum3A_53[15] : i32 from vector<16xi32>
    %multiple_of3A_55 = tpu.assume_multiple %reduce_sum3A_54, 128 : i32
    %and3A_56 = arith.constant -128 : i32
    %and3A_57 = vector.broadcast %and3A_56 : i32 to vector<16xi32>
    %and3A_58 = arith.andi %get3A_3, %and3A_57 : vector<16xi32>
    %eq3A_59 = arith.constant 4 : i32
    %eq3A_60 = vector.broadcast %eq3A_59 : i32 to vector<16xi32>
    %eq3A_61 = arith.cmpi eq, %iota3A, %eq3A_60 : vector<16xi32>
    %jit3A_62 = arith.constant 0 : i32
    %broadcast_in_dim3A_63 = vector.broadcast %jit3A_62 : i32 to vector<16xi32>
    %select_n3A_64 = arith.select %eq3A_61, %and3A_58, %broadcast_in_dim3A_63 : vector<16xi1>, vector<16xi32>
    %reduce_sum3A_65 = arith.constant true
    %reduce_sum3A_66 = vector.broadcast %reduce_sum3A_65 : i1 to vector<16xi1>
    %reduce_sum3A_67 = tpu.scan <sum>, %select_n3A_64 masked %reduce_sum3A_66 : vector<16xi32>, vector<16xi1> -> vector<16xi32>
    %reduce_sum3A_68 = vector.extract %reduce_sum3A_67[15] : i32 from vector<16xi32>
    %multiple_of3A_69 = tpu.assume_multiple %reduce_sum3A_68, 128 : i32
    %and3A_70 = arith.constant -128 : i32
    %and3A_71 = vector.broadcast %and3A_70 : i32 to vector<16xi32>
    %and3A_72 = arith.andi %get3A_3, %and3A_71 : vector<16xi32>
    %eq3A_73 = arith.constant 5 : i32
    %eq3A_74 = vector.broadcast %eq3A_73 : i32 to vector<16xi32>
    %eq3A_75 = arith.cmpi eq, %iota3A, %eq3A_74 : vector<16xi32>
    %jit3A_76 = arith.constant 0 : i32
    %broadcast_in_dim3A_77 = vector.broadcast %jit3A_76 : i32 to vector<16xi32>
    %select_n3A_78 = arith.select %eq3A_75, %and3A_72, %broadcast_in_dim3A_77 : vector<16xi1>, vector<16xi32>
    %reduce_sum3A_79 = arith.constant true
    %reduce_sum3A_80 = vector.broadcast %reduce_sum3A_79 : i1 to vector<16xi1>
    %reduce_sum3A_81 = tpu.scan <sum>, %select_n3A_78 masked %reduce_sum3A_80 : vector<16xi32>, vector<16xi1> -> vector<16xi32>
    %reduce_sum3A_82 = vector.extract %reduce_sum3A_81[15] : i32 from vector<16xi32>
    %multiple_of3A_83 = tpu.assume_multiple %reduce_sum3A_82, 128 : i32
    %and3A_84 = arith.constant -128 : i32
    %and3A_85 = vector.broadcast %and3A_84 : i32 to vector<16xi32>
    %and3A_86 = arith.andi %get3A_3, %and3A_85 : vector<16xi32>
    %eq3A_87 = arith.constant 6 : i32
    %eq3A_88 = vector.broadcast %eq3A_87 : i32 to vector<16xi32>
    %eq3A_89 = arith.cmpi eq, %iota3A, %eq3A_88 : vector<16xi32>
    %jit3A_90 = arith.constant 0 : i32
    %broadcast_in_dim3A_91 = vector.broadcast %jit3A_90 : i32 to vector<16xi32>
    %select_n3A_92 = arith.select %eq3A_89, %and3A_86, %broadcast_in_dim3A_91 : vector<16xi1>, vector<16xi32>
    %reduce_sum3A_93 = arith.constant true
    %reduce_sum3A_94 = vector.broadcast %reduce_sum3A_93 : i1 to vector<16xi1>
    %reduce_sum3A_95 = tpu.scan <sum>, %select_n3A_92 masked %reduce_sum3A_94 : vector<16xi32>, vector<16xi1> -> vector<16xi32>
    %reduce_sum3A_96 = vector.extract %reduce_sum3A_95[15] : i32 from vector<16xi32>
    %multiple_of3A_97 = tpu.assume_multiple %reduce_sum3A_96, 128 : i32
    %and3A_98 = arith.constant -128 : i32
    %and3A_99 = vector.broadcast %and3A_98 : i32 to vector<16xi32>
    %and3A_100 = arith.andi %get3A_3, %and3A_99 : vector<16xi32>
    %eq3A_101 = arith.constant 7 : i32
    %eq3A_102 = vector.broadcast %eq3A_101 : i32 to vector<16xi32>
    %eq3A_103 = arith.cmpi eq, %iota3A, %eq3A_102 : vector<16xi32>
    %jit3A_104 = arith.constant 0 : i32
    %broadcast_in_dim3A_105 = vector.broadcast %jit3A_104 : i32 to vector<16xi32>
    %select_n3A_106 = arith.select %eq3A_103, %and3A_100, %broadcast_in_dim3A_105 : vector<16xi1>, vector<16xi32>
    %reduce_sum3A_107 = arith.constant true
    %reduce_sum3A_108 = vector.broadcast %reduce_sum3A_107 : i1 to vector<16xi1>
    %reduce_sum3A_109 = tpu.scan <sum>, %select_n3A_106 masked %reduce_sum3A_108 : vector<16xi32>, vector<16xi1> -> vector<16xi32>
    %reduce_sum3A_110 = vector.extract %reduce_sum3A_109[15] : i32 from vector<16xi32>
    %multiple_of3A_111 = tpu.assume_multiple %reduce_sum3A_110, 128 : i32
    %and3A_112 = arith.constant 127 : i32
    %and3A_113 = vector.broadcast %and3A_112 : i32 to vector<16xi32>
    %and3A_114 = arith.andi %get3A_3, %and3A_113 : vector<16xi32>
    %eq3A_115 = arith.constant 0 : i32
    %eq3A_116 = vector.broadcast %eq3A_115 : i32 to vector<16xi32>
    %eq3A_117 = arith.cmpi eq, %iota3A, %eq3A_116 : vector<16xi32>
    %jit3A_118 = arith.constant 0 : i32
    %broadcast_in_dim3A_119 = vector.broadcast %jit3A_118 : i32 to vector<16xi32>
    %select_n3A_120 = arith.select %eq3A_117, %and3A_114, %broadcast_in_dim3A_119 : vector<16xi1>, vector<16xi32>
    %reduce_sum3A_121 = arith.constant true
    %reduce_sum3A_122 = vector.broadcast %reduce_sum3A_121 : i1 to vector<16xi1>
    %reduce_sum3A_123 = tpu.scan <sum>, %select_n3A_120 masked %reduce_sum3A_122 : vector<16xi32>, vector<16xi1> -> vector<16xi32>
    %reduce_sum3A_124 = vector.extract %reduce_sum3A_123[15] : i32 from vector<16xi32>
    %and3A_125 = arith.constant 127 : i32
    %and3A_126 = vector.broadcast %and3A_125 : i32 to vector<16xi32>
    %and3A_127 = arith.andi %get3A_3, %and3A_126 : vector<16xi32>
    %eq3A_128 = arith.constant 1 : i32
    %eq3A_129 = vector.broadcast %eq3A_128 : i32 to vector<16xi32>
    %eq3A_130 = arith.cmpi eq, %iota3A, %eq3A_129 : vector<16xi32>
    %jit3A_131 = arith.constant 0 : i32
    %broadcast_in_dim3A_132 = vector.broadcast %jit3A_131 : i32 to vector<16xi32>
    %select_n3A_133 = arith.select %eq3A_130, %and3A_127, %broadcast_in_dim3A_132 : vector<16xi1>, vector<16xi32>
    %reduce_sum3A_134 = arith.constant true
    %reduce_sum3A_135 = vector.broadcast %reduce_sum3A_134 : i1 to vector<16xi1>
    %reduce_sum3A_136 = tpu.scan <sum>, %select_n3A_133 masked %reduce_sum3A_135 : vector<16xi32>, vector<16xi1> -> vector<16xi32>
    %reduce_sum3A_137 = vector.extract %reduce_sum3A_136[15] : i32 from vector<16xi32>
    %and3A_138 = arith.constant 127 : i32
    %and3A_139 = vector.broadcast %and3A_138 : i32 to vector<16xi32>
    %and3A_140 = arith.andi %get3A_3, %and3A_139 : vector<16xi32>
    %eq3A_141 = arith.constant 2 : i32
    %eq3A_142 = vector.broadcast %eq3A_141 : i32 to vector<16xi32>
    %eq3A_143 = arith.cmpi eq, %iota3A, %eq3A_142 : vector<16xi32>
    %jit3A_144 = arith.constant 0 : i32
    %broadcast_in_dim3A_145 = vector.broadcast %jit3A_144 : i32 to vector<16xi32>
    %select_n3A_146 = arith.select %eq3A_143, %and3A_140, %broadcast_in_dim3A_145 : vector<16xi1>, vector<16xi32>
    %reduce_sum3A_147 = arith.constant true
    %reduce_sum3A_148 = vector.broadcast %reduce_sum3A_147 : i1 to vector<16xi1>
    %reduce_sum3A_149 = tpu.scan <sum>, %select_n3A_146 masked %reduce_sum3A_148 : vector<16xi32>, vector<16xi1> -> vector<16xi32>
    %reduce_sum3A_150 = vector.extract %reduce_sum3A_149[15] : i32 from vector<16xi32>
    %and3A_151 = arith.constant 127 : i32
    %and3A_152 = vector.broadcast %and3A_151 : i32 to vector<16xi32>
    %and3A_153 = arith.andi %get3A_3, %and3A_152 : vector<16xi32>
    %eq3A_154 = arith.constant 3 : i32
    %eq3A_155 = vector.broadcast %eq3A_154 : i32 to vector<16xi32>
    %eq3A_156 = arith.cmpi eq, %iota3A, %eq3A_155 : vector<16xi32>
    %jit3A_157 = arith.constant 0 : i32
    %broadcast_in_dim3A_158 = vector.broadcast %jit3A_157 : i32 to vector<16xi32>
    %select_n3A_159 = arith.select %eq3A_156, %and3A_153, %broadcast_in_dim3A_158 : vector<16xi1>, vector<16xi32>
    %reduce_sum3A_160 = arith.constant true
    %reduce_sum3A_161 = vector.broadcast %reduce_sum3A_160 : i1 to vector<16xi1>
    %reduce_sum3A_162 = tpu.scan <sum>, %select_n3A_159 masked %reduce_sum3A_161 : vector<16xi32>, vector<16xi1> -> vector<16xi32>
    %reduce_sum3A_163 = vector.extract %reduce_sum3A_162[15] : i32 from vector<16xi32>
    %and3A_164 = arith.constant 127 : i32
    %and3A_165 = vector.broadcast %and3A_164 : i32 to vector<16xi32>
    %and3A_166 = arith.andi %get3A_3, %and3A_165 : vector<16xi32>
    %eq3A_167 = arith.constant 4 : i32
    %eq3A_168 = vector.broadcast %eq3A_167 : i32 to vector<16xi32>
    %eq3A_169 = arith.cmpi eq, %iota3A, %eq3A_168 : vector<16xi32>
    %jit3A_170 = arith.constant 0 : i32
    %broadcast_in_dim3A_171 = vector.broadcast %jit3A_170 : i32 to vector<16xi32>
    %select_n3A_172 = arith.select %eq3A_169, %and3A_166, %broadcast_in_dim3A_171 : vector<16xi1>, vector<16xi32>
    %reduce_sum3A_173 = arith.constant true
    %reduce_sum3A_174 = vector.broadcast %reduce_sum3A_173 : i1 to vector<16xi1>
    %reduce_sum3A_175 = tpu.scan <sum>, %select_n3A_172 masked %reduce_sum3A_174 : vector<16xi32>, vector<16xi1> -> vector<16xi32>
    %reduce_sum3A_176 = vector.extract %reduce_sum3A_175[15] : i32 from vector<16xi32>
    %and3A_177 = arith.constant 127 : i32
    %and3A_178 = vector.broadcast %and3A_177 : i32 to vector<16xi32>
    %and3A_179 = arith.andi %get3A_3, %and3A_178 : vector<16xi32>
    %eq3A_180 = arith.constant 5 : i32
    %eq3A_181 = vector.broadcast %eq3A_180 : i32 to vector<16xi32>
    %eq3A_182 = arith.cmpi eq, %iota3A, %eq3A_181 : vector<16xi32>
    %jit3A_183 = arith.constant 0 : i32
    %broadcast_in_dim3A_184 = vector.broadcast %jit3A_183 : i32 to vector<16xi32>
    %select_n3A_185 = arith.select %eq3A_182, %and3A_179, %broadcast_in_dim3A_184 : vector<16xi1>, vector<16xi32>
    %reduce_sum3A_186 = arith.constant true
    %reduce_sum3A_187 = vector.broadcast %reduce_sum3A_186 : i1 to vector<16xi1>
    %reduce_sum3A_188 = tpu.scan <sum>, %select_n3A_185 masked %reduce_sum3A_187 : vector<16xi32>, vector<16xi1> -> vector<16xi32>
    %reduce_sum3A_189 = vector.extract %reduce_sum3A_188[15] : i32 from vector<16xi32>
    %and3A_190 = arith.constant 127 : i32
    %and3A_191 = vector.broadcast %and3A_190 : i32 to vector<16xi32>
    %and3A_192 = arith.andi %get3A_3, %and3A_191 : vector<16xi32>
    %eq3A_193 = arith.constant 6 : i32
    %eq3A_194 = vector.broadcast %eq3A_193 : i32 to vector<16xi32>
    %eq3A_195 = arith.cmpi eq, %iota3A, %eq3A_194 : vector<16xi32>
    %jit3A_196 = arith.constant 0 : i32
    %broadcast_in_dim3A_197 = vector.broadcast %jit3A_196 : i32 to vector<16xi32>
    %select_n3A_198 = arith.select %eq3A_195, %and3A_192, %broadcast_in_dim3A_197 : vector<16xi1>, vector<16xi32>
    %reduce_sum3A_199 = arith.constant true
    %reduce_sum3A_200 = vector.broadcast %reduce_sum3A_199 : i1 to vector<16xi1>
    %reduce_sum3A_201 = tpu.scan <sum>, %select_n3A_198 masked %reduce_sum3A_200 : vector<16xi32>, vector<16xi1> -> vector<16xi32>
    %reduce_sum3A_202 = vector.extract %reduce_sum3A_201[15] : i32 from vector<16xi32>
    %and3A_203 = arith.constant 127 : i32
    %and3A_204 = vector.broadcast %and3A_203 : i32 to vector<16xi32>
    %and3A_205 = arith.andi %get3A_3, %and3A_204 : vector<16xi32>
    %eq3A_206 = arith.constant 7 : i32
    %eq3A_207 = vector.broadcast %eq3A_206 : i32 to vector<16xi32>
    %eq3A_208 = arith.cmpi eq, %iota3A, %eq3A_207 : vector<16xi32>
    %jit3A_209 = arith.constant 0 : i32
    %broadcast_in_dim3A_210 = vector.broadcast %jit3A_209 : i32 to vector<16xi32>
    %select_n3A_211 = arith.select %eq3A_208, %and3A_205, %broadcast_in_dim3A_210 : vector<16xi1>, vector<16xi32>
    %reduce_sum3A_212 = arith.constant true
    %reduce_sum3A_213 = vector.broadcast %reduce_sum3A_212 : i1 to vector<16xi1>
    %reduce_sum3A_214 = tpu.scan <sum>, %select_n3A_211 masked %reduce_sum3A_213 : vector<16xi32>, vector<16xi1> -> vector<16xi32>
    %reduce_sum3A_215 = vector.extract %reduce_sum3A_214[15] : i32 from vector<16xi32>
    %eq3A_216 = arith.constant 0 : i32
    %eq3A_217 = vector.broadcast %eq3A_216 : i32 to vector<16xi32>
    %eq3A_218 = arith.cmpi eq, %iota3A, %eq3A_217 : vector<16xi32>
    %jit3A_219 = arith.constant 0.000000e+00 : f32
    %broadcast_in_dim3A_220 = vector.broadcast %jit3A_219 : f32 to vector<16xf32>
    %select_n3A_221 = arith.select %eq3A_218, %get3A_5, %broadcast_in_dim3A_220 : vector<16xi1>, vector<16xf32>
    %reduce_sum3A_222 = arith.constant true
    %reduce_sum3A_223 = vector.broadcast %reduce_sum3A_222 : i1 to vector<16xi1>
    %reduce_sum3A_224 = tpu.scan <sum>, %select_n3A_221 masked %reduce_sum3A_223 : vector<16xf32>, vector<16xi1> -> vector<16xf32>
    %reduce_sum3A_225 = vector.extract %reduce_sum3A_224[15] : f32 from vector<16xf32>
    %eq3A_226 = arith.constant 1 : i32
    %eq3A_227 = vector.broadcast %eq3A_226 : i32 to vector<16xi32>
    %eq3A_228 = arith.cmpi eq, %iota3A, %eq3A_227 : vector<16xi32>
    %jit3A_229 = arith.constant 0.000000e+00 : f32
    %broadcast_in_dim3A_230 = vector.broadcast %jit3A_229 : f32 to vector<16xf32>
    %select_n3A_231 = arith.select %eq3A_228, %get3A_5, %broadcast_in_dim3A_230 : vector<16xi1>, vector<16xf32>
    %reduce_sum3A_232 = arith.constant true
    %reduce_sum3A_233 = vector.broadcast %reduce_sum3A_232 : i1 to vector<16xi1>
    %reduce_sum3A_234 = tpu.scan <sum>, %select_n3A_231 masked %reduce_sum3A_233 : vector<16xf32>, vector<16xi1> -> vector<16xf32>
    %reduce_sum3A_235 = vector.extract %reduce_sum3A_234[15] : f32 from vector<16xf32>
    %eq3A_236 = arith.constant 2 : i32
    %eq3A_237 = vector.broadcast %eq3A_236 : i32 to vector<16xi32>
    %eq3A_238 = arith.cmpi eq, %iota3A, %eq3A_237 : vector<16xi32>
    %jit3A_239 = arith.constant 0.000000e+00 : f32
    %broadcast_in_dim3A_240 = vector.broadcast %jit3A_239 : f32 to vector<16xf32>
    %select_n3A_241 = arith.select %eq3A_238, %get3A_5, %broadcast_in_dim3A_240 : vector<16xi1>, vector<16xf32>
    %reduce_sum3A_242 = arith.constant true
    %reduce_sum3A_243 = vector.broadcast %reduce_sum3A_242 : i1 to vector<16xi1>
    %reduce_sum3A_244 = tpu.scan <sum>, %select_n3A_241 masked %reduce_sum3A_243 : vector<16xf32>, vector<16xi1> -> vector<16xf32>
    %reduce_sum3A_245 = vector.extract %reduce_sum3A_244[15] : f32 from vector<16xf32>
    %eq3A_246 = arith.constant 3 : i32
    %eq3A_247 = vector.broadcast %eq3A_246 : i32 to vector<16xi32>
    %eq3A_248 = arith.cmpi eq, %iota3A, %eq3A_247 : vector<16xi32>
    %jit3A_249 = arith.constant 0.000000e+00 : f32
    %broadcast_in_dim3A_250 = vector.broadcast %jit3A_249 : f32 to vector<16xf32>
    %select_n3A_251 = arith.select %eq3A_248, %get3A_5, %broadcast_in_dim3A_250 : vector<16xi1>, vector<16xf32>
    %reduce_sum3A_252 = arith.constant true
    %reduce_sum3A_253 = vector.broadcast %reduce_sum3A_252 : i1 to vector<16xi1>
    %reduce_sum3A_254 = tpu.scan <sum>, %select_n3A_251 masked %reduce_sum3A_253 : vector<16xf32>, vector<16xi1> -> vector<16xf32>
    %reduce_sum3A_255 = vector.extract %reduce_sum3A_254[15] : f32 from vector<16xf32>
    %eq3A_256 = arith.constant 4 : i32
    %eq3A_257 = vector.broadcast %eq3A_256 : i32 to vector<16xi32>
    %eq3A_258 = arith.cmpi eq, %iota3A, %eq3A_257 : vector<16xi32>
    %jit3A_259 = arith.constant 0.000000e+00 : f32
    %broadcast_in_dim3A_260 = vector.broadcast %jit3A_259 : f32 to vector<16xf32>
    %select_n3A_261 = arith.select %eq3A_258, %get3A_5, %broadcast_in_dim3A_260 : vector<16xi1>, vector<16xf32>
    %reduce_sum3A_262 = arith.constant true
    %reduce_sum3A_263 = vector.broadcast %reduce_sum3A_262 : i1 to vector<16xi1>
    %reduce_sum3A_264 = tpu.scan <sum>, %select_n3A_261 masked %reduce_sum3A_263 : vector<16xf32>, vector<16xi1> -> vector<16xf32>
    %reduce_sum3A_265 = vector.extract %reduce_sum3A_264[15] : f32 from vector<16xf32>
    %eq3A_266 = arith.constant 5 : i32
    %eq3A_267 = vector.broadcast %eq3A_266 : i32 to vector<16xi32>
    %eq3A_268 = arith.cmpi eq, %iota3A, %eq3A_267 : vector<16xi32>
    %jit3A_269 = arith.constant 0.000000e+00 : f32
    %broadcast_in_dim3A_270 = vector.broadcast %jit3A_269 : f32 to vector<16xf32>
    %select_n3A_271 = arith.select %eq3A_268, %get3A_5, %broadcast_in_dim3A_270 : vector<16xi1>, vector<16xf32>
    %reduce_sum3A_272 = arith.constant true
    %reduce_sum3A_273 = vector.broadcast %reduce_sum3A_272 : i1 to vector<16xi1>
    %reduce_sum3A_274 = tpu.scan <sum>, %select_n3A_271 masked %reduce_sum3A_273 : vector<16xf32>, vector<16xi1> -> vector<16xf32>
    %reduce_sum3A_275 = vector.extract %reduce_sum3A_274[15] : f32 from vector<16xf32>
    %eq3A_276 = arith.constant 6 : i32
    %eq3A_277 = vector.broadcast %eq3A_276 : i32 to vector<16xi32>
    %eq3A_278 = arith.cmpi eq, %iota3A, %eq3A_277 : vector<16xi32>
    %jit3A_279 = arith.constant 0.000000e+00 : f32
    %broadcast_in_dim3A_280 = vector.broadcast %jit3A_279 : f32 to vector<16xf32>
    %select_n3A_281 = arith.select %eq3A_278, %get3A_5, %broadcast_in_dim3A_280 : vector<16xi1>, vector<16xf32>
    %reduce_sum3A_282 = arith.constant true
    %reduce_sum3A_283 = vector.broadcast %reduce_sum3A_282 : i1 to vector<16xi1>
    %reduce_sum3A_284 = tpu.scan <sum>, %select_n3A_281 masked %reduce_sum3A_283 : vector<16xf32>, vector<16xi1> -> vector<16xf32>
    %reduce_sum3A_285 = vector.extract %reduce_sum3A_284[15] : f32 from vector<16xf32>
    %eq3A_286 = arith.constant 7 : i32
    %eq3A_287 = vector.broadcast %eq3A_286 : i32 to vector<16xi32>
    %eq3A_288 = arith.cmpi eq, %iota3A, %eq3A_287 : vector<16xi32>
    %jit3A_289 = arith.constant 0.000000e+00 : f32
    %broadcast_in_dim3A_290 = vector.broadcast %jit3A_289 : f32 to vector<16xf32>
    %select_n3A_291 = arith.select %eq3A_288, %get3A_5, %broadcast_in_dim3A_290 : vector<16xi1>, vector<16xf32>
    %reduce_sum3A_292 = arith.constant true
    %reduce_sum3A_293 = vector.broadcast %reduce_sum3A_292 : i1 to vector<16xi1>
    %reduce_sum3A_294 = tpu.scan <sum>, %select_n3A_291 masked %reduce_sum3A_293 : vector<16xf32>, vector<16xi1> -> vector<16xf32>
    %reduce_sum3A_295 = vector.extract %reduce_sum3A_294[15] : f32 from vector<16xf32>
    %eq3A_296 = arith.constant 15 : i32
    %eq3A_297 = arith.cmpi eq, %arg1, %eq3A_296 : i32
    %convert_element_type3A = arith.extui %eq3A_297 : i1 to i32
    %cond3A = arith.constant 0 : i32
    %cond3A_298 = arith.cmpi ne, %convert_element_type3A, %cond3A : i32
    scf.if %cond3A_298 {
      %dma_start3A_659 = arith.constant 0 : i32
      %dma_start3A_660 = tpu.memref_slice %arg5[%dma_start3A_659, %multiple_of3A_13] : memref<100x1000000xf32, #tpu.memory_space<hbm>> -> memref<100x128xf32, #tpu.memory_space<hbm>>
      %dma_start3A_661 = arith.constant 0 : i32
      %dma_start3A_662 = tpu.memref_slice %arg5[%dma_start3A_661, %multiple_of3A_13] : memref<100x1000000xf32, #tpu.memory_space<hbm>> -> memref<100x128xf32, #tpu.memory_space<hbm>>
      tpu.enqueue_dma source(%dma_start3A_662 : memref<100x128xf32, #tpu.memory_space<hbm>>) target(%arg15 : memref<100x128xf32, #tpu.memory_space<vmem>>) target_semaphore(%arg24 : memref<!tpu.dma_semaphore, #tpu.memory_space<semaphore_mem>>)
    } else {
    }
    %add3A_299 = arith.constant 0 : i32
    %add3A_300 = vector.broadcast %add3A_299 : i32 to vector<16xi32>
    %add3A_301 = arith.addi %add3A_300, %iota3A : vector<16xi32>
    %add3A_302 = arith.constant 16 : i32
    %add3A_303 = vector.broadcast %add3A_302 : i32 to vector<16xi32>
    %add3A_304 = arith.addi %add3A_303, %iota3A : vector<16xi32>
    %add3A_305 = arith.constant 32 : i32
    %add3A_306 = vector.broadcast %add3A_305 : i32 to vector<16xi32>
    %add3A_307 = arith.addi %add3A_306, %iota3A : vector<16xi32>
    %add3A_308 = arith.constant 48 : i32
    %add3A_309 = vector.broadcast %add3A_308 : i32 to vector<16xi32>
    %add3A_310 = arith.addi %add3A_309, %iota3A : vector<16xi32>
    %add3A_311 = arith.constant 64 : i32
    %add3A_312 = vector.broadcast %add3A_311 : i32 to vector<16xi32>
    %add3A_313 = arith.addi %add3A_312, %iota3A : vector<16xi32>
    %add3A_314 = arith.constant 80 : i32
    %add3A_315 = vector.broadcast %add3A_314 : i32 to vector<16xi32>
    %add3A_316 = arith.addi %add3A_315, %iota3A : vector<16xi32>
    %add3A_317 = arith.constant 84 : i32
    %add3A_318 = vector.broadcast %add3A_317 : i32 to vector<16xi32>
    %add3A_319 = arith.addi %add3A_318, %iota3A : vector<16xi32>
    %broadcast_in_dim3A_320 = arith.constant 0.000000e+00 : f32
    %broadcast_in_dim3A_321 = vector.broadcast %broadcast_in_dim3A_320 : f32 to vector<16xf32>
    %broadcast_in_dim3A_322 = arith.constant 0.000000e+00 : f32
    %broadcast_in_dim3A_323 = vector.broadcast %broadcast_in_dim3A_322 : f32 to vector<16xf32>
    %broadcast_in_dim3A_324 = arith.constant 0.000000e+00 : f32
    %broadcast_in_dim3A_325 = vector.broadcast %broadcast_in_dim3A_324 : f32 to vector<16xf32>
    %broadcast_in_dim3A_326 = arith.constant 0.000000e+00 : f32
    %broadcast_in_dim3A_327 = vector.broadcast %broadcast_in_dim3A_326 : f32 to vector<16xf32>
    %broadcast_in_dim3A_328 = arith.constant 0.000000e+00 : f32
    %broadcast_in_dim3A_329 = vector.broadcast %broadcast_in_dim3A_328 : f32 to vector<16xf32>
    %broadcast_in_dim3A_330 = arith.constant 0.000000e+00 : f32
    %broadcast_in_dim3A_331 = vector.broadcast %broadcast_in_dim3A_330 : f32 to vector<16xf32>
    %broadcast_in_dim3A_332 = arith.constant 0.000000e+00 : f32
    %broadcast_in_dim3A_333 = vector.broadcast %broadcast_in_dim3A_332 : f32 to vector<16xf32>
    %dma_start3A = arith.constant 0 : i32
    %dma_start3A_334 = tpu.memref_slice %arg6[%dma_start3A, %multiple_of3A_13] : memref<100x1000000xf32, #tpu.memory_space<hbm>> -> memref<100x128xf32, #tpu.memory_space<hbm>>
    %dma_start3A_335 = arith.constant 0 : i32
    %dma_start3A_336 = tpu.memref_slice %arg6[%dma_start3A_335, %multiple_of3A_13] : memref<100x1000000xf32, #tpu.memory_space<hbm>> -> memref<100x128xf32, #tpu.memory_space<hbm>>
    tpu.enqueue_dma source(%dma_start3A_336 : memref<100x128xf32, #tpu.memory_space<hbm>>) target(%arg11 : memref<100x128xf32, #tpu.memory_space<vmem>>) target_semaphore(%arg20 : memref<!tpu.dma_semaphore, #tpu.memory_space<semaphore_mem>>)
    %dma_start3A_337 = arith.constant 0 : i32
    %dma_start3A_338 = tpu.memref_slice %arg6[%dma_start3A_337, %multiple_of3A_27] : memref<100x1000000xf32, #tpu.memory_space<hbm>> -> memref<100x128xf32, #tpu.memory_space<hbm>>
    %dma_start3A_339 = arith.constant 0 : i32
    %dma_start3A_340 = tpu.memref_slice %arg6[%dma_start3A_339, %multiple_of3A_27] : memref<100x1000000xf32, #tpu.memory_space<hbm>> -> memref<100x128xf32, #tpu.memory_space<hbm>>
    tpu.enqueue_dma source(%dma_start3A_340 : memref<100x128xf32, #tpu.memory_space<hbm>>) target(%arg12 : memref<100x128xf32, #tpu.memory_space<vmem>>) target_semaphore(%arg21 : memref<!tpu.dma_semaphore, #tpu.memory_space<semaphore_mem>>)
    %dma_start3A_341 = arith.constant 0 : i32
    %dma_start3A_342 = tpu.memref_slice %arg6[%dma_start3A_341, %multiple_of3A_41] : memref<100x1000000xf32, #tpu.memory_space<hbm>> -> memref<100x128xf32, #tpu.memory_space<hbm>>
    %dma_start3A_343 = arith.constant 0 : i32
    %dma_start3A_344 = tpu.memref_slice %arg6[%dma_start3A_343, %multiple_of3A_41] : memref<100x1000000xf32, #tpu.memory_space<hbm>> -> memref<100x128xf32, #tpu.memory_space<hbm>>
    tpu.enqueue_dma source(%dma_start3A_344 : memref<100x128xf32, #tpu.memory_space<hbm>>) target(%arg13 : memref<100x128xf32, #tpu.memory_space<vmem>>) target_semaphore(%arg22 : memref<!tpu.dma_semaphore, #tpu.memory_space<semaphore_mem>>)
    %dma_start3A_345 = arith.constant 0 : i32
    %dma_start3A_346 = tpu.memref_slice %arg6[%dma_start3A_345, %multiple_of3A_55] : memref<100x1000000xf32, #tpu.memory_space<hbm>> -> memref<100x128xf32, #tpu.memory_space<hbm>>
    %dma_start3A_347 = arith.constant 0 : i32
    %dma_start3A_348 = tpu.memref_slice %arg6[%dma_start3A_347, %multiple_of3A_55] : memref<100x1000000xf32, #tpu.memory_space<hbm>> -> memref<100x128xf32, #tpu.memory_space<hbm>>
    tpu.enqueue_dma source(%dma_start3A_348 : memref<100x128xf32, #tpu.memory_space<hbm>>) target(%arg14 : memref<100x128xf32, #tpu.memory_space<vmem>>) target_semaphore(%arg23 : memref<!tpu.dma_semaphore, #tpu.memory_space<semaphore_mem>>)
    %dma_wait3A = arith.constant 0 : i32
    %dma_wait3A_349 = tpu.memref_slice %arg6[%dma_wait3A, %multiple_of3A_13] : memref<100x1000000xf32, #tpu.memory_space<hbm>> -> memref<100x128xf32, #tpu.memory_space<hbm>>
    %dma_wait3A_350 = arith.constant 0 : i32
    %dma_wait3A_351 = tpu.memref_slice %arg6[%dma_wait3A_350, %multiple_of3A_13] : memref<100x1000000xf32, #tpu.memory_space<hbm>> -> memref<100x128xf32, #tpu.memory_space<hbm>>
    tpu.wait_dma2 semaphore(%arg20 : memref<!tpu.dma_semaphore, #tpu.memory_space<semaphore_mem>>) src(%dma_wait3A_351 : memref<100x128xf32, #tpu.memory_space<hbm>>) dst(%arg11 : memref<100x128xf32, #tpu.memory_space<vmem>>)
    %broadcast_in_dim3A_352 = vector.broadcast %reduce_sum3A_124 : i32 to vector<16xi32>
    %gather3A = tpu.vector_load_idx %arg11[%add3A_301, %broadcast_in_dim3A_352] : memref<100x128xf32, #tpu.memory_space<vmem>>[vector<16xi32>, vector<16xi32>], vector<16xf32>,
    %mul3A_353 = vector.broadcast %reduce_sum3A_225 : f32 to vector<16xf32>
    %mul3A_354 = arith.mulf %gather3A, %mul3A_353 : vector<16xf32>
    %add3A_355 = arith.addf %broadcast_in_dim3A_321, %mul3A_354 : vector<16xf32>
    %gather3A_356 = tpu.vector_load_idx %arg11[%add3A_304, %broadcast_in_dim3A_352] : memref<100x128xf32, #tpu.memory_space<vmem>>[vector<16xi32>, vector<16xi32>], vector<16xf32>,
    %mul3A_357 = vector.broadcast %reduce_sum3A_225 : f32 to vector<16xf32>
    %mul3A_358 = arith.mulf %gather3A_356, %mul3A_357 : vector<16xf32>
    %add3A_359 = arith.addf %broadcast_in_dim3A_323, %mul3A_358 : vector<16xf32>
    %gather3A_360 = tpu.vector_load_idx %arg11[%add3A_307, %broadcast_in_dim3A_352] : memref<100x128xf32, #tpu.memory_space<vmem>>[vector<16xi32>, vector<16xi32>], vector<16xf32>,
    %mul3A_361 = vector.broadcast %reduce_sum3A_225 : f32 to vector<16xf32>
    %mul3A_362 = arith.mulf %gather3A_360, %mul3A_361 : vector<16xf32>
    %add3A_363 = arith.addf %broadcast_in_dim3A_325, %mul3A_362 : vector<16xf32>
    %gather3A_364 = tpu.vector_load_idx %arg11[%add3A_310, %broadcast_in_dim3A_352] : memref<100x128xf32, #tpu.memory_space<vmem>>[vector<16xi32>, vector<16xi32>], vector<16xf32>,
    %mul3A_365 = vector.broadcast %reduce_sum3A_225 : f32 to vector<16xf32>
    %mul3A_366 = arith.mulf %gather3A_364, %mul3A_365 : vector<16xf32>
    %add3A_367 = arith.addf %broadcast_in_dim3A_327, %mul3A_366 : vector<16xf32>
    %gather3A_368 = tpu.vector_load_idx %arg11[%add3A_313, %broadcast_in_dim3A_352] : memref<100x128xf32, #tpu.memory_space<vmem>>[vector<16xi32>, vector<16xi32>], vector<16xf32>,
    %mul3A_369 = vector.broadcast %reduce_sum3A_225 : f32 to vector<16xf32>
    %mul3A_370 = arith.mulf %gather3A_368, %mul3A_369 : vector<16xf32>
    %add3A_371 = arith.addf %broadcast_in_dim3A_329, %mul3A_370 : vector<16xf32>
    %gather3A_372 = tpu.vector_load_idx %arg11[%add3A_316, %broadcast_in_dim3A_352] : memref<100x128xf32, #tpu.memory_space<vmem>>[vector<16xi32>, vector<16xi32>], vector<16xf32>,
    %mul3A_373 = vector.broadcast %reduce_sum3A_225 : f32 to vector<16xf32>
    %mul3A_374 = arith.mulf %gather3A_372, %mul3A_373 : vector<16xf32>
    %add3A_375 = arith.addf %broadcast_in_dim3A_331, %mul3A_374 : vector<16xf32>
    %gather3A_376 = tpu.vector_load_idx %arg11[%add3A_319, %broadcast_in_dim3A_352] : memref<100x128xf32, #tpu.memory_space<vmem>>[vector<16xi32>, vector<16xi32>], vector<16xf32>,
    %mul3A_377 = vector.broadcast %reduce_sum3A_225 : f32 to vector<16xf32>
    %mul3A_378 = arith.mulf %gather3A_376, %mul3A_377 : vector<16xf32>
    %add3A_379 = arith.addf %broadcast_in_dim3A_333, %mul3A_378 : vector<16xf32>
    %dma_start3A_380 = arith.constant 0 : i32
    %dma_start3A_381 = tpu.memref_slice %arg6[%dma_start3A_380, %multiple_of3A_69] : memref<100x1000000xf32, #tpu.memory_space<hbm>> -> memref<100x128xf32, #tpu.memory_space<hbm>>
    %dma_start3A_382 = arith.constant 0 : i32
    %dma_start3A_383 = tpu.memref_slice %arg6[%dma_start3A_382, %multiple_of3A_69] : memref<100x1000000xf32, #tpu.memory_space<hbm>> -> memref<100x128xf32, #tpu.memory_space<hbm>>
    tpu.enqueue_dma source(%dma_start3A_383 : memref<100x128xf32, #tpu.memory_space<hbm>>) target(%arg11 : memref<100x128xf32, #tpu.memory_space<vmem>>) target_semaphore(%arg20 : memref<!tpu.dma_semaphore, #tpu.memory_space<semaphore_mem>>)
    %dma_wait3A_384 = arith.constant 0 : i32
    %dma_wait3A_385 = tpu.memref_slice %arg6[%dma_wait3A_384, %multiple_of3A_27] : memref<100x1000000xf32, #tpu.memory_space<hbm>> -> memref<100x128xf32, #tpu.memory_space<hbm>>
    %dma_wait3A_386 = arith.constant 0 : i32
    %dma_wait3A_387 = tpu.memref_slice %arg6[%dma_wait3A_386, %multiple_of3A_27] : memref<100x1000000xf32, #tpu.memory_space<hbm>> -> memref<100x128xf32, #tpu.memory_space<hbm>>
    tpu.wait_dma2 semaphore(%arg21 : memref<!tpu.dma_semaphore, #tpu.memory_space<semaphore_mem>>) src(%dma_wait3A_387 : memref<100x128xf32, #tpu.memory_space<hbm>>) dst(%arg12 : memref<100x128xf32, #tpu.memory_space<vmem>>)
    %broadcast_in_dim3A_388 = vector.broadcast %reduce_sum3A_137 : i32 to vector<16xi32>
    %gather3A_389 = tpu.vector_load_idx %arg12[%add3A_301, %broadcast_in_dim3A_388] : memref<100x128xf32, #tpu.memory_space<vmem>>[vector<16xi32>, vector<16xi32>], vector<16xf32>,
    %mul3A_390 = vector.broadcast %reduce_sum3A_235 : f32 to vector<16xf32>
    %mul3A_391 = arith.mulf %gather3A_389, %mul3A_390 : vector<16xf32>
    %add3A_392 = arith.addf %add3A_355, %mul3A_391 : vector<16xf32>
    %gather3A_393 = tpu.vector_load_idx %arg12[%add3A_304, %broadcast_in_dim3A_388] : memref<100x128xf32, #tpu.memory_space<vmem>>[vector<16xi32>, vector<16xi32>], vector<16xf32>,
    %mul3A_394 = vector.broadcast %reduce_sum3A_235 : f32 to vector<16xf32>
    %mul3A_395 = arith.mulf %gather3A_393, %mul3A_394 : vector<16xf32>
    %add3A_396 = arith.addf %add3A_359, %mul3A_395 : vector<16xf32>
    %gather3A_397 = tpu.vector_load_idx %arg12[%add3A_307, %broadcast_in_dim3A_388] : memref<100x128xf32, #tpu.memory_space<vmem>>[vector<16xi32>, vector<16xi32>], vector<16xf32>,
    %mul3A_398 = vector.broadcast %reduce_sum3A_235 : f32 to vector<16xf32>
    %mul3A_399 = arith.mulf %gather3A_397, %mul3A_398 : vector<16xf32>
    %add3A_400 = arith.addf %add3A_363, %mul3A_399 : vector<16xf32>
    %gather3A_401 = tpu.vector_load_idx %arg12[%add3A_310, %broadcast_in_dim3A_388] : memref<100x128xf32, #tpu.memory_space<vmem>>[vector<16xi32>, vector<16xi32>], vector<16xf32>,
    %mul3A_402 = vector.broadcast %reduce_sum3A_235 : f32 to vector<16xf32>
    %mul3A_403 = arith.mulf %gather3A_401, %mul3A_402 : vector<16xf32>
    %add3A_404 = arith.addf %add3A_367, %mul3A_403 : vector<16xf32>
    %gather3A_405 = tpu.vector_load_idx %arg12[%add3A_313, %broadcast_in_dim3A_388] : memref<100x128xf32, #tpu.memory_space<vmem>>[vector<16xi32>, vector<16xi32>], vector<16xf32>,
    %mul3A_406 = vector.broadcast %reduce_sum3A_235 : f32 to vector<16xf32>
    %mul3A_407 = arith.mulf %gather3A_405, %mul3A_406 : vector<16xf32>
    %add3A_408 = arith.addf %add3A_371, %mul3A_407 : vector<16xf32>
    %gather3A_409 = tpu.vector_load_idx %arg12[%add3A_316, %broadcast_in_dim3A_388] : memref<100x128xf32, #tpu.memory_space<vmem>>[vector<16xi32>, vector<16xi32>], vector<16xf32>,
    %mul3A_410 = vector.broadcast %reduce_sum3A_235 : f32 to vector<16xf32>
    %mul3A_411 = arith.mulf %gather3A_409, %mul3A_410 : vector<16xf32>
    %add3A_412 = arith.addf %add3A_375, %mul3A_411 : vector<16xf32>
    %gather3A_413 = tpu.vector_load_idx %arg12[%add3A_319, %broadcast_in_dim3A_388] : memref<100x128xf32, #tpu.memory_space<vmem>>[vector<16xi32>, vector<16xi32>], vector<16xf32>,
    %mul3A_414 = vector.broadcast %reduce_sum3A_235 : f32 to vector<16xf32>
    %mul3A_415 = arith.mulf %gather3A_413, %mul3A_414 : vector<16xf32>
    %add3A_416 = arith.addf %add3A_379, %mul3A_415 : vector<16xf32>
    %dma_start3A_417 = arith.constant 0 : i32
    %dma_start3A_418 = tpu.memref_slice %arg6[%dma_start3A_417, %multiple_of3A_83] : memref<100x1000000xf32, #tpu.memory_space<hbm>> -> memref<100x128xf32, #tpu.memory_space<hbm>>
    %dma_start3A_419 = arith.constant 0 : i32
    %dma_start3A_420 = tpu.memref_slice %arg6[%dma_start3A_419, %multiple_of3A_83] : memref<100x1000000xf32, #tpu.memory_space<hbm>> -> memref<100x128xf32, #tpu.memory_space<hbm>>
    tpu.enqueue_dma source(%dma_start3A_420 : memref<100x128xf32, #tpu.memory_space<hbm>>) target(%arg12 : memref<100x128xf32, #tpu.memory_space<vmem>>) target_semaphore(%arg21 : memref<!tpu.dma_semaphore, #tpu.memory_space<semaphore_mem>>)
    %dma_wait3A_421 = arith.constant 0 : i32
    %dma_wait3A_422 = tpu.memref_slice %arg6[%dma_wait3A_421, %multiple_of3A_41] : memref<100x1000000xf32, #tpu.memory_space<hbm>> -> memref<100x128xf32, #tpu.memory_space<hbm>>
    %dma_wait3A_423 = arith.constant 0 : i32
    %dma_wait3A_424 = tpu.memref_slice %arg6[%dma_wait3A_423, %multiple_of3A_41] : memref<100x1000000xf32, #tpu.memory_space<hbm>> -> memref<100x128xf32, #tpu.memory_space<hbm>>
    tpu.wait_dma2 semaphore(%arg22 : memref<!tpu.dma_semaphore, #tpu.memory_space<semaphore_mem>>) src(%dma_wait3A_424 : memref<100x128xf32, #tpu.memory_space<hbm>>) dst(%arg13 : memref<100x128xf32, #tpu.memory_space<vmem>>)
    %broadcast_in_dim3A_425 = vector.broadcast %reduce_sum3A_150 : i32 to vector<16xi32>
    %gather3A_426 = tpu.vector_load_idx %arg13[%add3A_301, %broadcast_in_dim3A_425] : memref<100x128xf32, #tpu.memory_space<vmem>>[vector<16xi32>, vector<16xi32>], vector<16xf32>,
    %mul3A_427 = vector.broadcast %reduce_sum3A_245 : f32 to vector<16xf32>
    %mul3A_428 = arith.mulf %gather3A_426, %mul3A_427 : vector<16xf32>
    %add3A_429 = arith.addf %add3A_392, %mul3A_428 : vector<16xf32>
    %gather3A_430 = tpu.vector_load_idx %arg13[%add3A_304, %broadcast_in_dim3A_425] : memref<100x128xf32, #tpu.memory_space<vmem>>[vector<16xi32>, vector<16xi32>], vector<16xf32>,
    %mul3A_431 = vector.broadcast %reduce_sum3A_245 : f32 to vector<16xf32>
    %mul3A_432 = arith.mulf %gather3A_430, %mul3A_431 : vector<16xf32>
    %add3A_433 = arith.addf %add3A_396, %mul3A_432 : vector<16xf32>
    %gather3A_434 = tpu.vector_load_idx %arg13[%add3A_307, %broadcast_in_dim3A_425] : memref<100x128xf32, #tpu.memory_space<vmem>>[vector<16xi32>, vector<16xi32>], vector<16xf32>,
    %mul3A_435 = vector.broadcast %reduce_sum3A_245 : f32 to vector<16xf32>
    %mul3A_436 = arith.mulf %gather3A_434, %mul3A_435 : vector<16xf32>
    %add3A_437 = arith.addf %add3A_400, %mul3A_436 : vector<16xf32>
    %gather3A_438 = tpu.vector_load_idx %arg13[%add3A_310, %broadcast_in_dim3A_425] : memref<100x128xf32, #tpu.memory_space<vmem>>[vector<16xi32>, vector<16xi32>], vector<16xf32>,
    %mul3A_439 = vector.broadcast %reduce_sum3A_245 : f32 to vector<16xf32>
    %mul3A_440 = arith.mulf %gather3A_438, %mul3A_439 : vector<16xf32>
    %add3A_441 = arith.addf %add3A_404, %mul3A_440 : vector<16xf32>
    %gather3A_442 = tpu.vector_load_idx %arg13[%add3A_313, %broadcast_in_dim3A_425] : memref<100x128xf32, #tpu.memory_space<vmem>>[vector<16xi32>, vector<16xi32>], vector<16xf32>,
    %mul3A_443 = vector.broadcast %reduce_sum3A_245 : f32 to vector<16xf32>
    %mul3A_444 = arith.mulf %gather3A_442, %mul3A_443 : vector<16xf32>
    %add3A_445 = arith.addf %add3A_408, %mul3A_444 : vector<16xf32>
    %gather3A_446 = tpu.vector_load_idx %arg13[%add3A_316, %broadcast_in_dim3A_425] : memref<100x128xf32, #tpu.memory_space<vmem>>[vector<16xi32>, vector<16xi32>], vector<16xf32>,
    %mul3A_447 = vector.broadcast %reduce_sum3A_245 : f32 to vector<16xf32>
    %mul3A_448 = arith.mulf %gather3A_446, %mul3A_447 : vector<16xf32>
    %add3A_449 = arith.addf %add3A_412, %mul3A_448 : vector<16xf32>
    %gather3A_450 = tpu.vector_load_idx %arg13[%add3A_319, %broadcast_in_dim3A_425] : memref<100x128xf32, #tpu.memory_space<vmem>>[vector<16xi32>, vector<16xi32>], vector<16xf32>,
    %mul3A_451 = vector.broadcast %reduce_sum3A_245 : f32 to vector<16xf32>
    %mul3A_452 = arith.mulf %gather3A_450, %mul3A_451 : vector<16xf32>
    %add3A_453 = arith.addf %add3A_416, %mul3A_452 : vector<16xf32>
    %dma_start3A_454 = arith.constant 0 : i32
    %dma_start3A_455 = tpu.memref_slice %arg6[%dma_start3A_454, %multiple_of3A_97] : memref<100x1000000xf32, #tpu.memory_space<hbm>> -> memref<100x128xf32, #tpu.memory_space<hbm>>
    %dma_start3A_456 = arith.constant 0 : i32
    %dma_start3A_457 = tpu.memref_slice %arg6[%dma_start3A_456, %multiple_of3A_97] : memref<100x1000000xf32, #tpu.memory_space<hbm>> -> memref<100x128xf32, #tpu.memory_space<hbm>>
    tpu.enqueue_dma source(%dma_start3A_457 : memref<100x128xf32, #tpu.memory_space<hbm>>) target(%arg13 : memref<100x128xf32, #tpu.memory_space<vmem>>) target_semaphore(%arg22 : memref<!tpu.dma_semaphore, #tpu.memory_space<semaphore_mem>>)
    %dma_wait3A_458 = arith.constant 0 : i32
    %dma_wait3A_459 = tpu.memref_slice %arg6[%dma_wait3A_458, %multiple_of3A_55] : memref<100x1000000xf32, #tpu.memory_space<hbm>> -> memref<100x128xf32, #tpu.memory_space<hbm>>
    %dma_wait3A_460 = arith.constant 0 : i32
    %dma_wait3A_461 = tpu.memref_slice %arg6[%dma_wait3A_460, %multiple_of3A_55] : memref<100x1000000xf32, #tpu.memory_space<hbm>> -> memref<100x128xf32, #tpu.memory_space<hbm>>
    tpu.wait_dma2 semaphore(%arg23 : memref<!tpu.dma_semaphore, #tpu.memory_space<semaphore_mem>>) src(%dma_wait3A_461 : memref<100x128xf32, #tpu.memory_space<hbm>>) dst(%arg14 : memref<100x128xf32, #tpu.memory_space<vmem>>)
    %broadcast_in_dim3A_462 = vector.broadcast %reduce_sum3A_163 : i32 to vector<16xi32>
    %gather3A_463 = tpu.vector_load_idx %arg14[%add3A_301, %broadcast_in_dim3A_462] : memref<100x128xf32, #tpu.memory_space<vmem>>[vector<16xi32>, vector<16xi32>], vector<16xf32>,
    %mul3A_464 = vector.broadcast %reduce_sum3A_255 : f32 to vector<16xf32>
    %mul3A_465 = arith.mulf %gather3A_463, %mul3A_464 : vector<16xf32>
    %add3A_466 = arith.addf %add3A_429, %mul3A_465 : vector<16xf32>
    %gather3A_467 = tpu.vector_load_idx %arg14[%add3A_304, %broadcast_in_dim3A_462] : memref<100x128xf32, #tpu.memory_space<vmem>>[vector<16xi32>, vector<16xi32>], vector<16xf32>,
    %mul3A_468 = vector.broadcast %reduce_sum3A_255 : f32 to vector<16xf32>
    %mul3A_469 = arith.mulf %gather3A_467, %mul3A_468 : vector<16xf32>
    %add3A_470 = arith.addf %add3A_433, %mul3A_469 : vector<16xf32>
    %gather3A_471 = tpu.vector_load_idx %arg14[%add3A_307, %broadcast_in_dim3A_462] : memref<100x128xf32, #tpu.memory_space<vmem>>[vector<16xi32>, vector<16xi32>], vector<16xf32>,
    %mul3A_472 = vector.broadcast %reduce_sum3A_255 : f32 to vector<16xf32>
    %mul3A_473 = arith.mulf %gather3A_471, %mul3A_472 : vector<16xf32>
    %add3A_474 = arith.addf %add3A_437, %mul3A_473 : vector<16xf32>
    %gather3A_475 = tpu.vector_load_idx %arg14[%add3A_310, %broadcast_in_dim3A_462] : memref<100x128xf32, #tpu.memory_space<vmem>>[vector<16xi32>, vector<16xi32>], vector<16xf32>,
    %mul3A_476 = vector.broadcast %reduce_sum3A_255 : f32 to vector<16xf32>
    %mul3A_477 = arith.mulf %gather3A_475, %mul3A_476 : vector<16xf32>
    %add3A_478 = arith.addf %add3A_441, %mul3A_477 : vector<16xf32>
    %gather3A_479 = tpu.vector_load_idx %arg14[%add3A_313, %broadcast_in_dim3A_462] : memref<100x128xf32, #tpu.memory_space<vmem>>[vector<16xi32>, vector<16xi32>], vector<16xf32>,
    %mul3A_480 = vector.broadcast %reduce_sum3A_255 : f32 to vector<16xf32>
    %mul3A_481 = arith.mulf %gather3A_479, %mul3A_480 : vector<16xf32>
    %add3A_482 = arith.addf %add3A_445, %mul3A_481 : vector<16xf32>
    %gather3A_483 = tpu.vector_load_idx %arg14[%add3A_316, %broadcast_in_dim3A_462] : memref<100x128xf32, #tpu.memory_space<vmem>>[vector<16xi32>, vector<16xi32>], vector<16xf32>,
    %mul3A_484 = vector.broadcast %reduce_sum3A_255 : f32 to vector<16xf32>
    %mul3A_485 = arith.mulf %gather3A_483, %mul3A_484 : vector<16xf32>
    %add3A_486 = arith.addf %add3A_449, %mul3A_485 : vector<16xf32>
    %gather3A_487 = tpu.vector_load_idx %arg14[%add3A_319, %broadcast_in_dim3A_462] : memref<100x128xf32, #tpu.memory_space<vmem>>[vector<16xi32>, vector<16xi32>], vector<16xf32>,
    %mul3A_488 = vector.broadcast %reduce_sum3A_255 : f32 to vector<16xf32>
    %mul3A_489 = arith.mulf %gather3A_487, %mul3A_488 : vector<16xf32>
    %add3A_490 = arith.addf %add3A_453, %mul3A_489 : vector<16xf32>
    %dma_start3A_491 = arith.constant 0 : i32
    %dma_start3A_492 = tpu.memref_slice %arg6[%dma_start3A_491, %multiple_of3A_111] : memref<100x1000000xf32, #tpu.memory_space<hbm>> -> memref<100x128xf32, #tpu.memory_space<hbm>>
    %dma_start3A_493 = arith.constant 0 : i32
    %dma_start3A_494 = tpu.memref_slice %arg6[%dma_start3A_493, %multiple_of3A_111] : memref<100x1000000xf32, #tpu.memory_space<hbm>> -> memref<100x128xf32, #tpu.memory_space<hbm>>
    tpu.enqueue_dma source(%dma_start3A_494 : memref<100x128xf32, #tpu.memory_space<hbm>>) target(%arg14 : memref<100x128xf32, #tpu.memory_space<vmem>>) target_semaphore(%arg23 : memref<!tpu.dma_semaphore, #tpu.memory_space<semaphore_mem>>)
    %dma_wait3A_495 = arith.constant 0 : i32
    %dma_wait3A_496 = tpu.memref_slice %arg6[%dma_wait3A_495, %multiple_of3A_69] : memref<100x1000000xf32, #tpu.memory_space<hbm>> -> memref<100x128xf32, #tpu.memory_space<hbm>>
    %dma_wait3A_497 = arith.constant 0 : i32
    %dma_wait3A_498 = tpu.memref_slice %arg6[%dma_wait3A_497, %multiple_of3A_69] : memref<100x1000000xf32, #tpu.memory_space<hbm>> -> memref<100x128xf32, #tpu.memory_space<hbm>>
    tpu.wait_dma2 semaphore(%arg20 : memref<!tpu.dma_semaphore, #tpu.memory_space<semaphore_mem>>) src(%dma_wait3A_498 : memref<100x128xf32, #tpu.memory_space<hbm>>) dst(%arg11 : memref<100x128xf32, #tpu.memory_space<vmem>>)
    %broadcast_in_dim3A_499 = vector.broadcast %reduce_sum3A_176 : i32 to vector<16xi32>
    %gather3A_500 = tpu.vector_load_idx %arg11[%add3A_301, %broadcast_in_dim3A_499] : memref<100x128xf32, #tpu.memory_space<vmem>>[vector<16xi32>, vector<16xi32>], vector<16xf32>,
    %mul3A_501 = vector.broadcast %reduce_sum3A_265 : f32 to vector<16xf32>
    %mul3A_502 = arith.mulf %gather3A_500, %mul3A_501 : vector<16xf32>
    %add3A_503 = arith.addf %add3A_466, %mul3A_502 : vector<16xf32>
    %gather3A_504 = tpu.vector_load_idx %arg11[%add3A_304, %broadcast_in_dim3A_499] : memref<100x128xf32, #tpu.memory_space<vmem>>[vector<16xi32>, vector<16xi32>], vector<16xf32>,
    %mul3A_505 = vector.broadcast %reduce_sum3A_265 : f32 to vector<16xf32>
    %mul3A_506 = arith.mulf %gather3A_504, %mul3A_505 : vector<16xf32>
    %add3A_507 = arith.addf %add3A_470, %mul3A_506 : vector<16xf32>
    %gather3A_508 = tpu.vector_load_idx %arg11[%add3A_307, %broadcast_in_dim3A_499] : memref<100x128xf32, #tpu.memory_space<vmem>>[vector<16xi32>, vector<16xi32>], vector<16xf32>,
    %mul3A_509 = vector.broadcast %reduce_sum3A_265 : f32 to vector<16xf32>
    %mul3A_510 = arith.mulf %gather3A_508, %mul3A_509 : vector<16xf32>
    %add3A_511 = arith.addf %add3A_474, %mul3A_510 : vector<16xf32>
    %gather3A_512 = tpu.vector_load_idx %arg11[%add3A_310, %broadcast_in_dim3A_499] : memref<100x128xf32, #tpu.memory_space<vmem>>[vector<16xi32>, vector<16xi32>], vector<16xf32>,
    %mul3A_513 = vector.broadcast %reduce_sum3A_265 : f32 to vector<16xf32>
    %mul3A_514 = arith.mulf %gather3A_512, %mul3A_513 : vector<16xf32>
    %add3A_515 = arith.addf %add3A_478, %mul3A_514 : vector<16xf32>
    %gather3A_516 = tpu.vector_load_idx %arg11[%add3A_313, %broadcast_in_dim3A_499] : memref<100x128xf32, #tpu.memory_space<vmem>>[vector<16xi32>, vector<16xi32>], vector<16xf32>,
    %mul3A_517 = vector.broadcast %reduce_sum3A_265 : f32 to vector<16xf32>
    %mul3A_518 = arith.mulf %gather3A_516, %mul3A_517 : vector<16xf32>
    %add3A_519 = arith.addf %add3A_482, %mul3A_518 : vector<16xf32>
    %gather3A_520 = tpu.vector_load_idx %arg11[%add3A_316, %broadcast_in_dim3A_499] : memref<100x128xf32, #tpu.memory_space<vmem>>[vector<16xi32>, vector<16xi32>], vector<16xf32>,
    %mul3A_521 = vector.broadcast %reduce_sum3A_265 : f32 to vector<16xf32>
    %mul3A_522 = arith.mulf %gather3A_520, %mul3A_521 : vector<16xf32>
    %add3A_523 = arith.addf %add3A_486, %mul3A_522 : vector<16xf32>
    %gather3A_524 = tpu.vector_load_idx %arg11[%add3A_319, %broadcast_in_dim3A_499] : memref<100x128xf32, #tpu.memory_space<vmem>>[vector<16xi32>, vector<16xi32>], vector<16xf32>,
    %mul3A_525 = vector.broadcast %reduce_sum3A_265 : f32 to vector<16xf32>
    %mul3A_526 = arith.mulf %gather3A_524, %mul3A_525 : vector<16xf32>
    %add3A_527 = arith.addf %add3A_490, %mul3A_526 : vector<16xf32>
    %dma_wait3A_528 = arith.constant 0 : i32
    %dma_wait3A_529 = tpu.memref_slice %arg6[%dma_wait3A_528, %multiple_of3A_83] : memref<100x1000000xf32, #tpu.memory_space<hbm>> -> memref<100x128xf32, #tpu.memory_space<hbm>>
    %dma_wait3A_530 = arith.constant 0 : i32
    %dma_wait3A_531 = tpu.memref_slice %arg6[%dma_wait3A_530, %multiple_of3A_83] : memref<100x1000000xf32, #tpu.memory_space<hbm>> -> memref<100x128xf32, #tpu.memory_space<hbm>>
    tpu.wait_dma2 semaphore(%arg21 : memref<!tpu.dma_semaphore, #tpu.memory_space<semaphore_mem>>) src(%dma_wait3A_531 : memref<100x128xf32, #tpu.memory_space<hbm>>) dst(%arg12 : memref<100x128xf32, #tpu.memory_space<vmem>>)
    %broadcast_in_dim3A_532 = vector.broadcast %reduce_sum3A_189 : i32 to vector<16xi32>
    %gather3A_533 = tpu.vector_load_idx %arg12[%add3A_301, %broadcast_in_dim3A_532] : memref<100x128xf32, #tpu.memory_space<vmem>>[vector<16xi32>, vector<16xi32>], vector<16xf32>,
    %mul3A_534 = vector.broadcast %reduce_sum3A_275 : f32 to vector<16xf32>
    %mul3A_535 = arith.mulf %gather3A_533, %mul3A_534 : vector<16xf32>
    %add3A_536 = arith.addf %add3A_503, %mul3A_535 : vector<16xf32>
    %gather3A_537 = tpu.vector_load_idx %arg12[%add3A_304, %broadcast_in_dim3A_532] : memref<100x128xf32, #tpu.memory_space<vmem>>[vector<16xi32>, vector<16xi32>], vector<16xf32>,
    %mul3A_538 = vector.broadcast %reduce_sum3A_275 : f32 to vector<16xf32>
    %mul3A_539 = arith.mulf %gather3A_537, %mul3A_538 : vector<16xf32>
    %add3A_540 = arith.addf %add3A_507, %mul3A_539 : vector<16xf32>
    %gather3A_541 = tpu.vector_load_idx %arg12[%add3A_307, %broadcast_in_dim3A_532] : memref<100x128xf32, #tpu.memory_space<vmem>>[vector<16xi32>, vector<16xi32>], vector<16xf32>,
    %mul3A_542 = vector.broadcast %reduce_sum3A_275 : f32 to vector<16xf32>
    %mul3A_543 = arith.mulf %gather3A_541, %mul3A_542 : vector<16xf32>
    %add3A_544 = arith.addf %add3A_511, %mul3A_543 : vector<16xf32>
    %gather3A_545 = tpu.vector_load_idx %arg12[%add3A_310, %broadcast_in_dim3A_532] : memref<100x128xf32, #tpu.memory_space<vmem>>[vector<16xi32>, vector<16xi32>], vector<16xf32>,
    %mul3A_546 = vector.broadcast %reduce_sum3A_275 : f32 to vector<16xf32>
    %mul3A_547 = arith.mulf %gather3A_545, %mul3A_546 : vector<16xf32>
    %add3A_548 = arith.addf %add3A_515, %mul3A_547 : vector<16xf32>
    %gather3A_549 = tpu.vector_load_idx %arg12[%add3A_313, %broadcast_in_dim3A_532] : memref<100x128xf32, #tpu.memory_space<vmem>>[vector<16xi32>, vector<16xi32>], vector<16xf32>,
    %mul3A_550 = vector.broadcast %reduce_sum3A_275 : f32 to vector<16xf32>
    %mul3A_551 = arith.mulf %gather3A_549, %mul3A_550 : vector<16xf32>
    %add3A_552 = arith.addf %add3A_519, %mul3A_551 : vector<16xf32>
    %gather3A_553 = tpu.vector_load_idx %arg12[%add3A_316, %broadcast_in_dim3A_532] : memref<100x128xf32, #tpu.memory_space<vmem>>[vector<16xi32>, vector<16xi32>], vector<16xf32>,
    %mul3A_554 = vector.broadcast %reduce_sum3A_275 : f32 to vector<16xf32>
    %mul3A_555 = arith.mulf %gather3A_553, %mul3A_554 : vector<16xf32>
    %add3A_556 = arith.addf %add3A_523, %mul3A_555 : vector<16xf32>
    %gather3A_557 = tpu.vector_load_idx %arg12[%add3A_319, %broadcast_in_dim3A_532] : memref<100x128xf32, #tpu.memory_space<vmem>>[vector<16xi32>, vector<16xi32>], vector<16xf32>,
    %mul3A_558 = vector.broadcast %reduce_sum3A_275 : f32 to vector<16xf32>
    %mul3A_559 = arith.mulf %gather3A_557, %mul3A_558 : vector<16xf32>
    %add3A_560 = arith.addf %add3A_527, %mul3A_559 : vector<16xf32>
    %dma_wait3A_561 = arith.constant 0 : i32
    %dma_wait3A_562 = tpu.memref_slice %arg6[%dma_wait3A_561, %multiple_of3A_97] : memref<100x1000000xf32, #tpu.memory_space<hbm>> -> memref<100x128xf32, #tpu.memory_space<hbm>>
    %dma_wait3A_563 = arith.constant 0 : i32
    %dma_wait3A_564 = tpu.memref_slice %arg6[%dma_wait3A_563, %multiple_of3A_97] : memref<100x1000000xf32, #tpu.memory_space<hbm>> -> memref<100x128xf32, #tpu.memory_space<hbm>>
    tpu.wait_dma2 semaphore(%arg22 : memref<!tpu.dma_semaphore, #tpu.memory_space<semaphore_mem>>) src(%dma_wait3A_564 : memref<100x128xf32, #tpu.memory_space<hbm>>) dst(%arg13 : memref<100x128xf32, #tpu.memory_space<vmem>>)
    %broadcast_in_dim3A_565 = vector.broadcast %reduce_sum3A_202 : i32 to vector<16xi32>
    %gather3A_566 = tpu.vector_load_idx %arg13[%add3A_301, %broadcast_in_dim3A_565] : memref<100x128xf32, #tpu.memory_space<vmem>>[vector<16xi32>, vector<16xi32>], vector<16xf32>,
    %mul3A_567 = vector.broadcast %reduce_sum3A_285 : f32 to vector<16xf32>
    %mul3A_568 = arith.mulf %gather3A_566, %mul3A_567 : vector<16xf32>
    %add3A_569 = arith.addf %add3A_536, %mul3A_568 : vector<16xf32>
    %gather3A_570 = tpu.vector_load_idx %arg13[%add3A_304, %broadcast_in_dim3A_565] : memref<100x128xf32, #tpu.memory_space<vmem>>[vector<16xi32>, vector<16xi32>], vector<16xf32>,
    %mul3A_571 = vector.broadcast %reduce_sum3A_285 : f32 to vector<16xf32>
    %mul3A_572 = arith.mulf %gather3A_570, %mul3A_571 : vector<16xf32>
    %add3A_573 = arith.addf %add3A_540, %mul3A_572 : vector<16xf32>
    %gather3A_574 = tpu.vector_load_idx %arg13[%add3A_307, %broadcast_in_dim3A_565] : memref<100x128xf32, #tpu.memory_space<vmem>>[vector<16xi32>, vector<16xi32>], vector<16xf32>,
    %mul3A_575 = vector.broadcast %reduce_sum3A_285 : f32 to vector<16xf32>
    %mul3A_576 = arith.mulf %gather3A_574, %mul3A_575 : vector<16xf32>
    %add3A_577 = arith.addf %add3A_544, %mul3A_576 : vector<16xf32>
    %gather3A_578 = tpu.vector_load_idx %arg13[%add3A_310, %broadcast_in_dim3A_565] : memref<100x128xf32, #tpu.memory_space<vmem>>[vector<16xi32>, vector<16xi32>], vector<16xf32>,
    %mul3A_579 = vector.broadcast %reduce_sum3A_285 : f32 to vector<16xf32>
    %mul3A_580 = arith.mulf %gather3A_578, %mul3A_579 : vector<16xf32>
    %add3A_581 = arith.addf %add3A_548, %mul3A_580 : vector<16xf32>
    %gather3A_582 = tpu.vector_load_idx %arg13[%add3A_313, %broadcast_in_dim3A_565] : memref<100x128xf32, #tpu.memory_space<vmem>>[vector<16xi32>, vector<16xi32>], vector<16xf32>,
    %mul3A_583 = vector.broadcast %reduce_sum3A_285 : f32 to vector<16xf32>
    %mul3A_584 = arith.mulf %gather3A_582, %mul3A_583 : vector<16xf32>
    %add3A_585 = arith.addf %add3A_552, %mul3A_584 : vector<16xf32>
    %gather3A_586 = tpu.vector_load_idx %arg13[%add3A_316, %broadcast_in_dim3A_565] : memref<100x128xf32, #tpu.memory_space<vmem>>[vector<16xi32>, vector<16xi32>], vector<16xf32>,
    %mul3A_587 = vector.broadcast %reduce_sum3A_285 : f32 to vector<16xf32>
    %mul3A_588 = arith.mulf %gather3A_586, %mul3A_587 : vector<16xf32>
    %add3A_589 = arith.addf %add3A_556, %mul3A_588 : vector<16xf32>
    %gather3A_590 = tpu.vector_load_idx %arg13[%add3A_319, %broadcast_in_dim3A_565] : memref<100x128xf32, #tpu.memory_space<vmem>>[vector<16xi32>, vector<16xi32>], vector<16xf32>,
    %mul3A_591 = vector.broadcast %reduce_sum3A_285 : f32 to vector<16xf32>
    %mul3A_592 = arith.mulf %gather3A_590, %mul3A_591 : vector<16xf32>
    %add3A_593 = arith.addf %add3A_560, %mul3A_592 : vector<16xf32>
    %dma_wait3A_594 = arith.constant 0 : i32
    %dma_wait3A_595 = tpu.memref_slice %arg6[%dma_wait3A_594, %multiple_of3A_111] : memref<100x1000000xf32, #tpu.memory_space<hbm>> -> memref<100x128xf32, #tpu.memory_space<hbm>>
    %dma_wait3A_596 = arith.constant 0 : i32
    %dma_wait3A_597 = tpu.memref_slice %arg6[%dma_wait3A_596, %multiple_of3A_111] : memref<100x1000000xf32, #tpu.memory_space<hbm>> -> memref<100x128xf32, #tpu.memory_space<hbm>>
    tpu.wait_dma2 semaphore(%arg23 : memref<!tpu.dma_semaphore, #tpu.memory_space<semaphore_mem>>) src(%dma_wait3A_597 : memref<100x128xf32, #tpu.memory_space<hbm>>) dst(%arg14 : memref<100x128xf32, #tpu.memory_space<vmem>>)
    %broadcast_in_dim3A_598 = vector.broadcast %reduce_sum3A_215 : i32 to vector<16xi32>
    %gather3A_599 = tpu.vector_load_idx %arg14[%add3A_301, %broadcast_in_dim3A_598] : memref<100x128xf32, #tpu.memory_space<vmem>>[vector<16xi32>, vector<16xi32>], vector<16xf32>,
    %mul3A_600 = vector.broadcast %reduce_sum3A_295 : f32 to vector<16xf32>
    %mul3A_601 = arith.mulf %gather3A_599, %mul3A_600 : vector<16xf32>
    %add3A_602 = arith.addf %add3A_569, %mul3A_601 : vector<16xf32>
    %gather3A_603 = tpu.vector_load_idx %arg14[%add3A_304, %broadcast_in_dim3A_598] : memref<100x128xf32, #tpu.memory_space<vmem>>[vector<16xi32>, vector<16xi32>], vector<16xf32>,
    %mul3A_604 = vector.broadcast %reduce_sum3A_295 : f32 to vector<16xf32>
    %mul3A_605 = arith.mulf %gather3A_603, %mul3A_604 : vector<16xf32>
    %add3A_606 = arith.addf %add3A_573, %mul3A_605 : vector<16xf32>
    %gather3A_607 = tpu.vector_load_idx %arg14[%add3A_307, %broadcast_in_dim3A_598] : memref<100x128xf32, #tpu.memory_space<vmem>>[vector<16xi32>, vector<16xi32>], vector<16xf32>,
    %mul3A_608 = vector.broadcast %reduce_sum3A_295 : f32 to vector<16xf32>
    %mul3A_609 = arith.mulf %gather3A_607, %mul3A_608 : vector<16xf32>
    %add3A_610 = arith.addf %add3A_577, %mul3A_609 : vector<16xf32>
    %gather3A_611 = tpu.vector_load_idx %arg14[%add3A_310, %broadcast_in_dim3A_598] : memref<100x128xf32, #tpu.memory_space<vmem>>[vector<16xi32>, vector<16xi32>], vector<16xf32>,
    %mul3A_612 = vector.broadcast %reduce_sum3A_295 : f32 to vector<16xf32>
    %mul3A_613 = arith.mulf %gather3A_611, %mul3A_612 : vector<16xf32>
    %add3A_614 = arith.addf %add3A_581, %mul3A_613 : vector<16xf32>
    %gather3A_615 = tpu.vector_load_idx %arg14[%add3A_313, %broadcast_in_dim3A_598] : memref<100x128xf32, #tpu.memory_space<vmem>>[vector<16xi32>, vector<16xi32>], vector<16xf32>,
    %mul3A_616 = vector.broadcast %reduce_sum3A_295 : f32 to vector<16xf32>
    %mul3A_617 = arith.mulf %gather3A_615, %mul3A_616 : vector<16xf32>
    %add3A_618 = arith.addf %add3A_585, %mul3A_617 : vector<16xf32>
    %gather3A_619 = tpu.vector_load_idx %arg14[%add3A_316, %broadcast_in_dim3A_598] : memref<100x128xf32, #tpu.memory_space<vmem>>[vector<16xi32>, vector<16xi32>], vector<16xf32>,
    %mul3A_620 = vector.broadcast %reduce_sum3A_295 : f32 to vector<16xf32>
    %mul3A_621 = arith.mulf %gather3A_619, %mul3A_620 : vector<16xf32>
    %add3A_622 = arith.addf %add3A_589, %mul3A_621 : vector<16xf32>
    %gather3A_623 = tpu.vector_load_idx %arg14[%add3A_319, %broadcast_in_dim3A_598] : memref<100x128xf32, #tpu.memory_space<vmem>>[vector<16xi32>, vector<16xi32>], vector<16xf32>,
    %mul3A_624 = vector.broadcast %reduce_sum3A_295 : f32 to vector<16xf32>
    %mul3A_625 = arith.mulf %gather3A_623, %mul3A_624 : vector<16xf32>
    %add3A_626 = arith.addf %add3A_593, %mul3A_625 : vector<16xf32>
    %swap3A = arith.constant 0 : i32
    %swap3A_627 = arith.index_cast %swap3A : i32 to index
    %swap3A_628 = arith.constant 0 : index
    %swap3A_629 = tpu.vector_load %arg16[%swap3A_627, %swap3A_628] {strides = array<i32>} : memref<1x128xf32, #tpu.memory_space<vmem>>, vector<16xf32>,
    tpu.vector_store %arg16[%swap3A_627, %swap3A_628], %add3A_602 {strides = array<i32>} : memref<1x128xf32, #tpu.memory_space<vmem>>, vector<16xf32>,
    %swap3A_630 = arith.constant 0 : i32
    %swap3A_631 = arith.index_cast %swap3A_630 : i32 to index
    %swap3A_632 = arith.constant 16 : index
    %swap3A_633 = tpu.vector_load %arg16[%swap3A_631, %swap3A_632] {strides = array<i32>} : memref<1x128xf32, #tpu.memory_space<vmem>>, vector<16xf32>,
    tpu.vector_store %arg16[%swap3A_631, %swap3A_632], %add3A_606 {strides = array<i32>} : memref<1x128xf32, #tpu.memory_space<vmem>>, vector<16xf32>,
    %swap3A_634 = arith.constant 0 : i32
    %swap3A_635 = arith.index_cast %swap3A_634 : i32 to index
    %swap3A_636 = arith.constant 32 : index
    %swap3A_637 = tpu.vector_load %arg16[%swap3A_635, %swap3A_636] {strides = array<i32>} : memref<1x128xf32, #tpu.memory_space<vmem>>, vector<16xf32>,
    tpu.vector_store %arg16[%swap3A_635, %swap3A_636], %add3A_610 {strides = array<i32>} : memref<1x128xf32, #tpu.memory_space<vmem>>, vector<16xf32>,
    %swap3A_638 = arith.constant 0 : i32
    %swap3A_639 = arith.index_cast %swap3A_638 : i32 to index
    %swap3A_640 = arith.constant 48 : index
    %swap3A_641 = tpu.vector_load %arg16[%swap3A_639, %swap3A_640] {strides = array<i32>} : memref<1x128xf32, #tpu.memory_space<vmem>>, vector<16xf32>,
    tpu.vector_store %arg16[%swap3A_639, %swap3A_640], %add3A_614 {strides = array<i32>} : memref<1x128xf32, #tpu.memory_space<vmem>>, vector<16xf32>,
    %swap3A_642 = arith.constant 0 : i32
    %swap3A_643 = arith.index_cast %swap3A_642 : i32 to index
    %swap3A_644 = arith.constant 64 : index
    %swap3A_645 = tpu.vector_load %arg16[%swap3A_643, %swap3A_644] {strides = array<i32>} : memref<1x128xf32, #tpu.memory_space<vmem>>, vector<16xf32>,
    tpu.vector_store %arg16[%swap3A_643, %swap3A_644], %add3A_618 {strides = array<i32>} : memref<1x128xf32, #tpu.memory_space<vmem>>, vector<16xf32>,
    %swap3A_646 = arith.constant 0 : i32
    %swap3A_647 = arith.index_cast %swap3A_646 : i32 to index
    %swap3A_648 = arith.constant 80 : index
    %swap3A_649 = tpu.vector_load %arg16[%swap3A_647, %swap3A_648] {strides = array<i32>} : memref<1x128xf32, #tpu.memory_space<vmem>>, vector<16xf32>,
    tpu.vector_store %arg16[%swap3A_647, %swap3A_648], %add3A_622 {strides = array<i32>} : memref<1x128xf32, #tpu.memory_space<vmem>>, vector<16xf32>,
    %swap3A_650 = arith.constant 0 : i32
    %swap3A_651 = arith.index_cast %swap3A_650 : i32 to index
    %swap3A_652 = arith.constant 84 : index
    %swap3A_653 = tpu.vector_load %arg16[%swap3A_651, %swap3A_652] {strides = array<i32>} : memref<1x128xf32, #tpu.memory_space<vmem>>, vector<16xf32>,
    tpu.vector_store %arg16[%swap3A_651, %swap3A_652], %add3A_626 {strides = array<i32>} : memref<1x128xf32, #tpu.memory_space<vmem>>, vector<16xf32>,
    "tpu.region"() ({
      %run_scoped3A = tpu.sem_alloc : memref<!tpu.dma_semaphore, #tpu.memory_space<semaphore_mem>>
      %dma_start3A_659 = arith.constant 0 : i32
      %dma_start3A_660 = tpu.memref_slice %arg19[%arg1, %dma_start3A_659] : memref<16x128xf32, #tpu.memory_space<vmem_shared>> -> memref<1x128xf32, #tpu.memory_space<vmem_shared>>
      %dma_start3A_661 = arith.constant 0 : i32
      %dma_start3A_662 = tpu.memref_slice %arg19[%arg1, %dma_start3A_661] : memref<16x128xf32, #tpu.memory_space<vmem_shared>> -> memref<1x128xf32, #tpu.memory_space<vmem_shared>>
      tpu.enqueue_dma source(%arg16 : memref<1x128xf32, #tpu.memory_space<vmem>>) target(%dma_start3A_662 : memref<1x128xf32, #tpu.memory_space<vmem_shared>>) target_semaphore(%run_scoped3A : memref<!tpu.dma_semaphore, #tpu.memory_space<semaphore_mem>>)
      %dma_wait3A_663 = arith.constant 0 : i32
      %dma_wait3A_664 = tpu.memref_slice %arg19[%arg1, %dma_wait3A_663] : memref<16x128xf32, #tpu.memory_space<vmem_shared>> -> memref<1x128xf32, #tpu.memory_space<vmem_shared>>
      %dma_wait3A_665 = arith.constant 0 : i32
      %dma_wait3A_666 = tpu.memref_slice %arg19[%arg1, %dma_wait3A_665] : memref<16x128xf32, #tpu.memory_space<vmem_shared>> -> memref<1x128xf32, #tpu.memory_space<vmem_shared>>
      tpu.wait_dma2 semaphore(%run_scoped3A : memref<!tpu.dma_semaphore, #tpu.memory_space<semaphore_mem>>) src(%arg16 : memref<1x128xf32, #tpu.memory_space<vmem>>) dst(%dma_wait3A_666 : memref<1x128xf32, #tpu.memory_space<vmem_shared>>)
      tpu.yield
    }) : () -> ()
    %barrier3A = arith.constant 0 : index
    tpu.barrier barrier_id(%barrier3A)
    %eq3A_654 = arith.constant 15 : i32
    %eq3A_655 = arith.cmpi eq, %arg1, %eq3A_654 : i32
    %convert_element_type3A_656 = arith.extui %eq3A_655 : i1 to i32
    %cond3A_657 = arith.constant 0 : i32
    %cond3A_658 = arith.cmpi ne, %convert_element_type3A_656, %cond3A_657 : i32
    scf.if %cond3A_658 {
      "tpu.region"() ({
        %run_scoped3A = tpu.sem_alloc : memref<!tpu.dma_semaphore, #tpu.memory_space<semaphore_mem>>
        tpu.enqueue_dma source(%arg19 : memref<16x128xf32, #tpu.memory_space<vmem_shared>>) target(%arg17 : memref<16x128xf32, #tpu.memory_space<vmem>>) target_semaphore(%run_scoped3A : memref<!tpu.dma_semaphore, #tpu.memory_space<semaphore_mem>>)
        tpu.wait_dma2 semaphore(%run_scoped3A : memref<!tpu.dma_semaphore, #tpu.memory_space<semaphore_mem>>) src(%arg19 : memref<16x128xf32, #tpu.memory_space<vmem_shared>>) dst(%arg17 : memref<16x128xf32, #tpu.memory_space<vmem>>)
        tpu.yield
      }) : () -> ()
      "tpu.region"() ({
        %run_scoped3A = tpu.sem_alloc : memref<!tpu.dma_semaphore, #tpu.memory_space<semaphore_mem>>
        tpu.enqueue_dma source(%arg4 : memref<16xf32, #tpu.memory_space<hbm>>) target(%arg10 : memref<16xf32, #tpu.memory_space<vmem>>) target_semaphore(%run_scoped3A : memref<!tpu.dma_semaphore, #tpu.memory_space<semaphore_mem>>)
        tpu.wait_dma2 semaphore(%run_scoped3A : memref<!tpu.dma_semaphore, #tpu.memory_space<semaphore_mem>>) src(%arg4 : memref<16xf32, #tpu.memory_space<hbm>>) dst(%arg10 : memref<16xf32, #tpu.memory_space<vmem>>)
        tpu.yield
      }) : () -> ()
      %dma_wait3A_659 = arith.constant 0 : i32
      %dma_wait3A_660 = tpu.memref_slice %arg5[%dma_wait3A_659, %multiple_of3A_13] : memref<100x1000000xf32, #tpu.memory_space<hbm>> -> memref<100x128xf32, #tpu.memory_space<hbm>>
      %dma_wait3A_661 = arith.constant 0 : i32
      %dma_wait3A_662 = tpu.memref_slice %arg5[%dma_wait3A_661, %multiple_of3A_13] : memref<100x1000000xf32, #tpu.memory_space<hbm>> -> memref<100x128xf32, #tpu.memory_space<hbm>>
      tpu.wait_dma2 semaphore(%arg24 : memref<!tpu.dma_semaphore, #tpu.memory_space<semaphore_mem>>) src(%dma_wait3A_662 : memref<100x128xf32, #tpu.memory_space<hbm>>) dst(%arg15 : memref<100x128xf32, #tpu.memory_space<vmem>>)
      %eq3A_663 = arith.constant 0 : i32
      %eq3A_664 = arith.cmpi eq, %arg0, %eq3A_663 : i32
      %jit3A_665 = arith.constant 1.000000e+00 : f32
      %jit3A_666 = arith.constant 0.000000e+00 : f32
      %select_n3A_667 = arith.select %eq3A_664, %jit3A_665, %jit3A_666 : f32
      %get3A_668 = arith.constant 0 : index
      %get3A_669 = tpu.vector_load %arg10[%get3A_668] {strides = array<i32>} : memref<16xf32, #tpu.memory_space<vmem>>, vector<16xf32>,
      %mul3A_670 = vector.broadcast %select_n3A_667 : f32 to vector<16xf32>
      %mul3A_671 = arith.mulf %mul3A_670, %get3A_669 : vector<16xf32>
      %broadcast_in_dim3A_672 = vector.broadcast %reduce_sum3A_124 : i32 to vector<16xi32>
      %broadcast_in_dim3A_673 = arith.constant 0.000000e+00 : f32
      %broadcast_in_dim3A_674 = vector.broadcast %broadcast_in_dim3A_673 : f32 to vector<16xf32>
      %get3A_675 = arith.constant 0 : i32
      %get3A_676 = arith.index_cast %get3A_675 : i32 to index
      %get3A_677 = arith.constant 0 : index
      %get3A_678 = tpu.vector_load %arg17[%get3A_676, %get3A_677] {strides = array<i32>} : memref<16x128xf32, #tpu.memory_space<vmem>>, vector<16xf32>,
      %add3A_679 = arith.addf %broadcast_in_dim3A_674, %get3A_678 : vector<16xf32>
      %get3A_680 = arith.constant 1 : i32
      %get3A_681 = arith.index_cast %get3A_680 : i32 to index
      %get3A_682 = arith.constant 0 : index
      %get3A_683 = tpu.vector_load %arg17[%get3A_681, %get3A_682] {strides = array<i32>} : memref<16x128xf32, #tpu.memory_space<vmem>>, vector<16xf32>,
      %add3A_684 = arith.addf %add3A_679, %get3A_683 : vector<16xf32>
      %get3A_685 = arith.constant 2 : i32
      %get3A_686 = arith.index_cast %get3A_685 : i32 to index
      %get3A_687 = arith.constant 0 : index
      %get3A_688 = tpu.vector_load %arg17[%get3A_686, %get3A_687] {strides = array<i32>} : memref<16x128xf32, #tpu.memory_space<vmem>>, vector<16xf32>,
      %add3A_689 = arith.addf %add3A_684, %get3A_688 : vector<16xf32>
      %get3A_690 = arith.constant 3 : i32
      %get3A_691 = arith.index_cast %get3A_690 : i32 to index
      %get3A_692 = arith.constant 0 : index
      %get3A_693 = tpu.vector_load %arg17[%get3A_691, %get3A_692] {strides = array<i32>} : memref<16x128xf32, #tpu.memory_space<vmem>>, vector<16xf32>,
      %add3A_694 = arith.addf %add3A_689, %get3A_693 : vector<16xf32>
      %get3A_695 = arith.constant 4 : i32
      %get3A_696 = arith.index_cast %get3A_695 : i32 to index
      %get3A_697 = arith.constant 0 : index
      %get3A_698 = tpu.vector_load %arg17[%get3A_696, %get3A_697] {strides = array<i32>} : memref<16x128xf32, #tpu.memory_space<vmem>>, vector<16xf32>,
      %add3A_699 = arith.addf %add3A_694, %get3A_698 : vector<16xf32>
      %get3A_700 = arith.constant 5 : i32
      %get3A_701 = arith.index_cast %get3A_700 : i32 to index
      %get3A_702 = arith.constant 0 : index
      %get3A_703 = tpu.vector_load %arg17[%get3A_701, %get3A_702] {strides = array<i32>} : memref<16x128xf32, #tpu.memory_space<vmem>>, vector<16xf32>,
      %add3A_704 = arith.addf %add3A_699, %get3A_703 : vector<16xf32>
      %get3A_705 = arith.constant 6 : i32
      %get3A_706 = arith.index_cast %get3A_705 : i32 to index
      %get3A_707 = arith.constant 0 : index
      %get3A_708 = tpu.vector_load %arg17[%get3A_706, %get3A_707] {strides = array<i32>} : memref<16x128xf32, #tpu.memory_space<vmem>>, vector<16xf32>,
      %add3A_709 = arith.addf %add3A_704, %get3A_708 : vector<16xf32>
      %get3A_710 = arith.constant 7 : i32
      %get3A_711 = arith.index_cast %get3A_710 : i32 to index
      %get3A_712 = arith.constant 0 : index
      %get3A_713 = tpu.vector_load %arg17[%get3A_711, %get3A_712] {strides = array<i32>} : memref<16x128xf32, #tpu.memory_space<vmem>>, vector<16xf32>,
      %add3A_714 = arith.addf %add3A_709, %get3A_713 : vector<16xf32>
      %get3A_715 = arith.constant 8 : i32
      %get3A_716 = arith.index_cast %get3A_715 : i32 to index
      %get3A_717 = arith.constant 0 : index
      %get3A_718 = tpu.vector_load %arg17[%get3A_716, %get3A_717] {strides = array<i32>} : memref<16x128xf32, #tpu.memory_space<vmem>>, vector<16xf32>,
      %add3A_719 = arith.addf %add3A_714, %get3A_718 : vector<16xf32>
      %get3A_720 = arith.constant 9 : i32
      %get3A_721 = arith.index_cast %get3A_720 : i32 to index
      %get3A_722 = arith.constant 0 : index
      %get3A_723 = tpu.vector_load %arg17[%get3A_721, %get3A_722] {strides = array<i32>} : memref<16x128xf32, #tpu.memory_space<vmem>>, vector<16xf32>,
      %add3A_724 = arith.addf %add3A_719, %get3A_723 : vector<16xf32>
      %get3A_725 = arith.constant 10 : i32
      %get3A_726 = arith.index_cast %get3A_725 : i32 to index
      %get3A_727 = arith.constant 0 : index
      %get3A_728 = tpu.vector_load %arg17[%get3A_726, %get3A_727] {strides = array<i32>} : memref<16x128xf32, #tpu.memory_space<vmem>>, vector<16xf32>,
      %add3A_729 = arith.addf %add3A_724, %get3A_728 : vector<16xf32>
      %get3A_730 = arith.constant 11 : i32
      %get3A_731 = arith.index_cast %get3A_730 : i32 to index
      %get3A_732 = arith.constant 0 : index
      %get3A_733 = tpu.vector_load %arg17[%get3A_731, %get3A_732] {strides = array<i32>} : memref<16x128xf32, #tpu.memory_space<vmem>>, vector<16xf32>,
      %add3A_734 = arith.addf %add3A_729, %get3A_733 : vector<16xf32>
      %get3A_735 = arith.constant 12 : i32
      %get3A_736 = arith.index_cast %get3A_735 : i32 to index
      %get3A_737 = arith.constant 0 : index
      %get3A_738 = tpu.vector_load %arg17[%get3A_736, %get3A_737] {strides = array<i32>} : memref<16x128xf32, #tpu.memory_space<vmem>>, vector<16xf32>,
      %add3A_739 = arith.addf %add3A_734, %get3A_738 : vector<16xf32>
      %get3A_740 = arith.constant 13 : i32
      %get3A_741 = arith.index_cast %get3A_740 : i32 to index
      %get3A_742 = arith.constant 0 : index
      %get3A_743 = tpu.vector_load %arg17[%get3A_741, %get3A_742] {strides = array<i32>} : memref<16x128xf32, #tpu.memory_space<vmem>>, vector<16xf32>,
      %add3A_744 = arith.addf %add3A_739, %get3A_743 : vector<16xf32>
      %get3A_745 = arith.constant 14 : i32
      %get3A_746 = arith.index_cast %get3A_745 : i32 to index
      %get3A_747 = arith.constant 0 : index
      %get3A_748 = tpu.vector_load %arg17[%get3A_746, %get3A_747] {strides = array<i32>} : memref<16x128xf32, #tpu.memory_space<vmem>>, vector<16xf32>,
      %add3A_749 = arith.addf %add3A_744, %get3A_748 : vector<16xf32>
      %get3A_750 = arith.constant 15 : i32
      %get3A_751 = arith.index_cast %get3A_750 : i32 to index
      %get3A_752 = arith.constant 0 : index
      %get3A_753 = tpu.vector_load %arg17[%get3A_751, %get3A_752] {strides = array<i32>} : memref<16x128xf32, #tpu.memory_space<vmem>>, vector<16xf32>,
      %add3A_754 = arith.addf %add3A_749, %get3A_753 : vector<16xf32>
      %mul3A_755 = arith.constant 0.00999999977 : f32
      %mul3A_756 = vector.broadcast %mul3A_755 : f32 to vector<16xf32>
      %mul3A_757 = arith.mulf %add3A_754, %mul3A_756 : vector<16xf32>
      %add3A_758 = arith.addf %mul3A_757, %mul3A_671 : vector<16xf32>
      %gather3A_759 = tpu.vector_load_idx %arg15[%add3A_301, %broadcast_in_dim3A_672] : memref<100x128xf32, #tpu.memory_space<vmem>>[vector<16xi32>, vector<16xi32>], vector<16xf32>,
      %swap3A_760 = arith.constant 0 : i32
      %swap3A_761 = arith.index_cast %swap3A_760 : i32 to index
      %swap3A_762 = arith.constant 0 : index
      %swap3A_763 = tpu.vector_load %arg18[%swap3A_761, %swap3A_762] {strides = array<i32>} : memref<3x128xf32, #tpu.memory_space<vmem>>, vector<16xf32>,
      tpu.vector_store %arg18[%swap3A_761, %swap3A_762], %gather3A_759 {strides = array<i32>} : memref<3x128xf32, #tpu.memory_space<vmem>>, vector<16xf32>,
      %mul3A_764 = arith.mulf %gather3A_759, %add3A_758 : vector<16xf32>
      %swap3A_765 = arith.constant 1 : i32
      %swap3A_766 = arith.index_cast %swap3A_765 : i32 to index
      %swap3A_767 = arith.constant 0 : index
      %swap3A_768 = tpu.vector_load %arg18[%swap3A_766, %swap3A_767] {strides = array<i32>} : memref<3x128xf32, #tpu.memory_space<vmem>>, vector<16xf32>,
      tpu.vector_store %arg18[%swap3A_766, %swap3A_767], %mul3A_764 {strides = array<i32>} : memref<3x128xf32, #tpu.memory_space<vmem>>, vector<16xf32>,
      %swap3A_769 = arith.constant 2 : i32
      %swap3A_770 = arith.index_cast %swap3A_769 : i32 to index
      %swap3A_771 = arith.constant 0 : index
      %swap3A_772 = tpu.vector_load %arg18[%swap3A_770, %swap3A_771] {strides = array<i32>} : memref<3x128xf32, #tpu.memory_space<vmem>>, vector<16xf32>,
      tpu.vector_store %arg18[%swap3A_770, %swap3A_771], %add3A_758 {strides = array<i32>} : memref<3x128xf32, #tpu.memory_space<vmem>>, vector<16xf32>,
      %broadcast_in_dim3A_773 = arith.constant 0.000000e+00 : f32
      %broadcast_in_dim3A_774 = vector.broadcast %broadcast_in_dim3A_773 : f32 to vector<16xf32>
      %get3A_775 = arith.constant 0 : i32
      %get3A_776 = arith.index_cast %get3A_775 : i32 to index
      %get3A_777 = arith.constant 16 : index
      %get3A_778 = tpu.vector_load %arg17[%get3A_776, %get3A_777] {strides = array<i32>} : memref<16x128xf32, #tpu.memory_space<vmem>>, vector<16xf32>,
      %add3A_779 = arith.addf %broadcast_in_dim3A_774, %get3A_778 : vector<16xf32>
      %get3A_780 = arith.constant 1 : i32
      %get3A_781 = arith.index_cast %get3A_780 : i32 to index
      %get3A_782 = arith.constant 16 : index
      %get3A_783 = tpu.vector_load %arg17[%get3A_781, %get3A_782] {strides = array<i32>} : memref<16x128xf32, #tpu.memory_space<vmem>>, vector<16xf32>,
      %add3A_784 = arith.addf %add3A_779, %get3A_783 : vector<16xf32>
      %get3A_785 = arith.constant 2 : i32
      %get3A_786 = arith.index_cast %get3A_785 : i32 to index
      %get3A_787 = arith.constant 16 : index
      %get3A_788 = tpu.vector_load %arg17[%get3A_786, %get3A_787] {strides = array<i32>} : memref<16x128xf32, #tpu.memory_space<vmem>>, vector<16xf32>,
      %add3A_789 = arith.addf %add3A_784, %get3A_788 : vector<16xf32>
      %get3A_790 = arith.constant 3 : i32
      %get3A_791 = arith.index_cast %get3A_790 : i32 to index
      %get3A_792 = arith.constant 16 : index
      %get3A_793 = tpu.vector_load %arg17[%get3A_791, %get3A_792] {strides = array<i32>} : memref<16x128xf32, #tpu.memory_space<vmem>>, vector<16xf32>,
      %add3A_794 = arith.addf %add3A_789, %get3A_793 : vector<16xf32>
      %get3A_795 = arith.constant 4 : i32
      %get3A_796 = arith.index_cast %get3A_795 : i32 to index
      %get3A_797 = arith.constant 16 : index
      %get3A_798 = tpu.vector_load %arg17[%get3A_796, %get3A_797] {strides = array<i32>} : memref<16x128xf32, #tpu.memory_space<vmem>>, vector<16xf32>,
      %add3A_799 = arith.addf %add3A_794, %get3A_798 : vector<16xf32>
      %get3A_800 = arith.constant 5 : i32
      %get3A_801 = arith.index_cast %get3A_800 : i32 to index
      %get3A_802 = arith.constant 16 : index
      %get3A_803 = tpu.vector_load %arg17[%get3A_801, %get3A_802] {strides = array<i32>} : memref<16x128xf32, #tpu.memory_space<vmem>>, vector<16xf32>,
      %add3A_804 = arith.addf %add3A_799, %get3A_803 : vector<16xf32>
      %get3A_805 = arith.constant 6 : i32
      %get3A_806 = arith.index_cast %get3A_805 : i32 to index
      %get3A_807 = arith.constant 16 : index
      %get3A_808 = tpu.vector_load %arg17[%get3A_806, %get3A_807] {strides = array<i32>} : memref<16x128xf32, #tpu.memory_space<vmem>>, vector<16xf32>,
      %add3A_809 = arith.addf %add3A_804, %get3A_808 : vector<16xf32>
      %get3A_810 = arith.constant 7 : i32
      %get3A_811 = arith.index_cast %get3A_810 : i32 to index
      %get3A_812 = arith.constant 16 : index
      %get3A_813 = tpu.vector_load %arg17[%get3A_811, %get3A_812] {strides = array<i32>} : memref<16x128xf32, #tpu.memory_space<vmem>>, vector<16xf32>,
      %add3A_814 = arith.addf %add3A_809, %get3A_813 : vector<16xf32>
      %get3A_815 = arith.constant 8 : i32
      %get3A_816 = arith.index_cast %get3A_815 : i32 to index
      %get3A_817 = arith.constant 16 : index
      %get3A_818 = tpu.vector_load %arg17[%get3A_816, %get3A_817] {strides = array<i32>} : memref<16x128xf32, #tpu.memory_space<vmem>>, vector<16xf32>,
      %add3A_819 = arith.addf %add3A_814, %get3A_818 : vector<16xf32>
      %get3A_820 = arith.constant 9 : i32
      %get3A_821 = arith.index_cast %get3A_820 : i32 to index
      %get3A_822 = arith.constant 16 : index
      %get3A_823 = tpu.vector_load %arg17[%get3A_821, %get3A_822] {strides = array<i32>} : memref<16x128xf32, #tpu.memory_space<vmem>>, vector<16xf32>,
      %add3A_824 = arith.addf %add3A_819, %get3A_823 : vector<16xf32>
      %get3A_825 = arith.constant 10 : i32
      %get3A_826 = arith.index_cast %get3A_825 : i32 to index
      %get3A_827 = arith.constant 16 : index
      %get3A_828 = tpu.vector_load %arg17[%get3A_826, %get3A_827] {strides = array<i32>} : memref<16x128xf32, #tpu.memory_space<vmem>>, vector<16xf32>,
      %add3A_829 = arith.addf %add3A_824, %get3A_828 : vector<16xf32>
      %get3A_830 = arith.constant 11 : i32
      %get3A_831 = arith.index_cast %get3A_830 : i32 to index
      %get3A_832 = arith.constant 16 : index
      %get3A_833 = tpu.vector_load %arg17[%get3A_831, %get3A_832] {strides = array<i32>} : memref<16x128xf32, #tpu.memory_space<vmem>>, vector<16xf32>,
      %add3A_834 = arith.addf %add3A_829, %get3A_833 : vector<16xf32>
      %get3A_835 = arith.constant 12 : i32
      %get3A_836 = arith.index_cast %get3A_835 : i32 to index
      %get3A_837 = arith.constant 16 : index
      %get3A_838 = tpu.vector_load %arg17[%get3A_836, %get3A_837] {strides = array<i32>} : memref<16x128xf32, #tpu.memory_space<vmem>>, vector<16xf32>,
      %add3A_839 = arith.addf %add3A_834, %get3A_838 : vector<16xf32>
      %get3A_840 = arith.constant 13 : i32
      %get3A_841 = arith.index_cast %get3A_840 : i32 to index
      %get3A_842 = arith.constant 16 : index
      %get3A_843 = tpu.vector_load %arg17[%get3A_841, %get3A_842] {strides = array<i32>} : memref<16x128xf32, #tpu.memory_space<vmem>>, vector<16xf32>,
      %add3A_844 = arith.addf %add3A_839, %get3A_843 : vector<16xf32>
      %get3A_845 = arith.constant 14 : i32
      %get3A_846 = arith.index_cast %get3A_845 : i32 to index
      %get3A_847 = arith.constant 16 : index
      %get3A_848 = tpu.vector_load %arg17[%get3A_846, %get3A_847] {strides = array<i32>} : memref<16x128xf32, #tpu.memory_space<vmem>>, vector<16xf32>,
      %add3A_849 = arith.addf %add3A_844, %get3A_848 : vector<16xf32>
      %get3A_850 = arith.constant 15 : i32
      %get3A_851 = arith.index_cast %get3A_850 : i32 to index
      %get3A_852 = arith.constant 16 : index
      %get3A_853 = tpu.vector_load %arg17[%get3A_851, %get3A_852] {strides = array<i32>} : memref<16x128xf32, #tpu.memory_space<vmem>>, vector<16xf32>,
      %add3A_854 = arith.addf %add3A_849, %get3A_853 : vector<16xf32>
      %mul3A_855 = arith.constant 0.00999999977 : f32
      %mul3A_856 = vector.broadcast %mul3A_855 : f32 to vector<16xf32>
      %mul3A_857 = arith.mulf %add3A_854, %mul3A_856 : vector<16xf32>
      %add3A_858 = arith.addf %mul3A_857, %mul3A_671 : vector<16xf32>
      %gather3A_859 = tpu.vector_load_idx %arg15[%add3A_304, %broadcast_in_dim3A_672] : memref<100x128xf32, #tpu.memory_space<vmem>>[vector<16xi32>, vector<16xi32>], vector<16xf32>,
      %swap3A_860 = arith.constant 0 : i32
      %swap3A_861 = arith.index_cast %swap3A_860 : i32 to index
      %swap3A_862 = arith.constant 16 : index
      %swap3A_863 = tpu.vector_load %arg18[%swap3A_861, %swap3A_862] {strides = array<i32>} : memref<3x128xf32, #tpu.memory_space<vmem>>, vector<16xf32>,
      tpu.vector_store %arg18[%swap3A_861, %swap3A_862], %gather3A_859 {strides = array<i32>} : memref<3x128xf32, #tpu.memory_space<vmem>>, vector<16xf32>,
      %mul3A_864 = arith.mulf %gather3A_859, %add3A_858 : vector<16xf32>
      %swap3A_865 = arith.constant 1 : i32
      %swap3A_866 = arith.index_cast %swap3A_865 : i32 to index
      %swap3A_867 = arith.constant 16 : index
      %swap3A_868 = tpu.vector_load %arg18[%swap3A_866, %swap3A_867] {strides = array<i32>} : memref<3x128xf32, #tpu.memory_space<vmem>>, vector<16xf32>,
      tpu.vector_store %arg18[%swap3A_866, %swap3A_867], %mul3A_864 {strides = array<i32>} : memref<3x128xf32, #tpu.memory_space<vmem>>, vector<16xf32>,
      %swap3A_869 = arith.constant 2 : i32
      %swap3A_870 = arith.index_cast %swap3A_869 : i32 to index
      %swap3A_871 = arith.constant 16 : index
      %swap3A_872 = tpu.vector_load %arg18[%swap3A_870, %swap3A_871] {strides = array<i32>} : memref<3x128xf32, #tpu.memory_space<vmem>>, vector<16xf32>,
      tpu.vector_store %arg18[%swap3A_870, %swap3A_871], %add3A_858 {strides = array<i32>} : memref<3x128xf32, #tpu.memory_space<vmem>>, vector<16xf32>,
      %broadcast_in_dim3A_873 = arith.constant 0.000000e+00 : f32
      %broadcast_in_dim3A_874 = vector.broadcast %broadcast_in_dim3A_873 : f32 to vector<16xf32>
      %get3A_875 = arith.constant 0 : i32
      %get3A_876 = arith.index_cast %get3A_875 : i32 to index
      %get3A_877 = arith.constant 32 : index
      %get3A_878 = tpu.vector_load %arg17[%get3A_876, %get3A_877] {strides = array<i32>} : memref<16x128xf32, #tpu.memory_space<vmem>>, vector<16xf32>,
      %add3A_879 = arith.addf %broadcast_in_dim3A_874, %get3A_878 : vector<16xf32>
      %get3A_880 = arith.constant 1 : i32
      %get3A_881 = arith.index_cast %get3A_880 : i32 to index
      %get3A_882 = arith.constant 32 : index
      %get3A_883 = tpu.vector_load %arg17[%get3A_881, %get3A_882] {strides = array<i32>} : memref<16x128xf32, #tpu.memory_space<vmem>>, vector<16xf32>,
      %add3A_884 = arith.addf %add3A_879, %get3A_883 : vector<16xf32>
      %get3A_885 = arith.constant 2 : i32
      %get3A_886 = arith.index_cast %get3A_885 : i32 to index
      %get3A_887 = arith.constant 32 : index
      %get3A_888 = tpu.vector_load %arg17[%get3A_886, %get3A_887] {strides = array<i32>} : memref<16x128xf32, #tpu.memory_space<vmem>>, vector<16xf32>,
      %add3A_889 = arith.addf %add3A_884, %get3A_888 : vector<16xf32>
      %get3A_890 = arith.constant 3 : i32
      %get3A_891 = arith.index_cast %get3A_890 : i32 to index
      %get3A_892 = arith.constant 32 : index
      %get3A_893 = tpu.vector_load %arg17[%get3A_891, %get3A_892] {strides = array<i32>} : memref<16x128xf32, #tpu.memory_space<vmem>>, vector<16xf32>,
      %add3A_894 = arith.addf %add3A_889, %get3A_893 : vector<16xf32>
      %get3A_895 = arith.constant 4 : i32
      %get3A_896 = arith.index_cast %get3A_895 : i32 to index
      %get3A_897 = arith.constant 32 : index
      %get3A_898 = tpu.vector_load %arg17[%get3A_896, %get3A_897] {strides = array<i32>} : memref<16x128xf32, #tpu.memory_space<vmem>>, vector<16xf32>,
      %add3A_899 = arith.addf %add3A_894, %get3A_898 : vector<16xf32>
      %get3A_900 = arith.constant 5 : i32
      %get3A_901 = arith.index_cast %get3A_900 : i32 to index
      %get3A_902 = arith.constant 32 : index
      %get3A_903 = tpu.vector_load %arg17[%get3A_901, %get3A_902] {strides = array<i32>} : memref<16x128xf32, #tpu.memory_space<vmem>>, vector<16xf32>,
      %add3A_904 = arith.addf %add3A_899, %get3A_903 : vector<16xf32>
      %get3A_905 = arith.constant 6 : i32
      %get3A_906 = arith.index_cast %get3A_905 : i32 to index
      %get3A_907 = arith.constant 32 : index
      %get3A_908 = tpu.vector_load %arg17[%get3A_906, %get3A_907] {strides = array<i32>} : memref<16x128xf32, #tpu.memory_space<vmem>>, vector<16xf32>,
      %add3A_909 = arith.addf %add3A_904, %get3A_908 : vector<16xf32>
      %get3A_910 = arith.constant 7 : i32
      %get3A_911 = arith.index_cast %get3A_910 : i32 to index
      %get3A_912 = arith.constant 32 : index
      %get3A_913 = tpu.vector_load %arg17[%get3A_911, %get3A_912] {strides = array<i32>} : memref<16x128xf32, #tpu.memory_space<vmem>>, vector<16xf32>,
      %add3A_914 = arith.addf %add3A_909, %get3A_913 : vector<16xf32>
      %get3A_915 = arith.constant 8 : i32
      %get3A_916 = arith.index_cast %get3A_915 : i32 to index
      %get3A_917 = arith.constant 32 : index
      %get3A_918 = tpu.vector_load %arg17[%get3A_916, %get3A_917] {strides = array<i32>} : memref<16x128xf32, #tpu.memory_space<vmem>>, vector<16xf32>,
      %add3A_919 = arith.addf %add3A_914, %get3A_918 : vector<16xf32>
      %get3A_920 = arith.constant 9 : i32
      %get3A_921 = arith.index_cast %get3A_920 : i32 to index
      %get3A_922 = arith.constant 32 : index
      %get3A_923 = tpu.vector_load %arg17[%get3A_921, %get3A_922] {strides = array<i32>} : memref<16x128xf32, #tpu.memory_space<vmem>>, vector<16xf32>,
      %add3A_924 = arith.addf %add3A_919, %get3A_923 : vector<16xf32>
      %get3A_925 = arith.constant 10 : i32
      %get3A_926 = arith.index_cast %get3A_925 : i32 to index
      %get3A_927 = arith.constant 32 : index
      %get3A_928 = tpu.vector_load %arg17[%get3A_926, %get3A_927] {strides = array<i32>} : memref<16x128xf32, #tpu.memory_space<vmem>>, vector<16xf32>,
      %add3A_929 = arith.addf %add3A_924, %get3A_928 : vector<16xf32>
      %get3A_930 = arith.constant 11 : i32
      %get3A_931 = arith.index_cast %get3A_930 : i32 to index
      %get3A_932 = arith.constant 32 : index
      %get3A_933 = tpu.vector_load %arg17[%get3A_931, %get3A_932] {strides = array<i32>} : memref<16x128xf32, #tpu.memory_space<vmem>>, vector<16xf32>,
      %add3A_934 = arith.addf %add3A_929, %get3A_933 : vector<16xf32>
      %get3A_935 = arith.constant 12 : i32
      %get3A_936 = arith.index_cast %get3A_935 : i32 to index
      %get3A_937 = arith.constant 32 : index
      %get3A_938 = tpu.vector_load %arg17[%get3A_936, %get3A_937] {strides = array<i32>} : memref<16x128xf32, #tpu.memory_space<vmem>>, vector<16xf32>,
      %add3A_939 = arith.addf %add3A_934, %get3A_938 : vector<16xf32>
      %get3A_940 = arith.constant 13 : i32
      %get3A_941 = arith.index_cast %get3A_940 : i32 to index
      %get3A_942 = arith.constant 32 : index
      %get3A_943 = tpu.vector_load %arg17[%get3A_941, %get3A_942] {strides = array<i32>} : memref<16x128xf32, #tpu.memory_space<vmem>>, vector<16xf32>,
      %add3A_944 = arith.addf %add3A_939, %get3A_943 : vector<16xf32>
      %get3A_945 = arith.constant 14 : i32
      %get3A_946 = arith.index_cast %get3A_945 : i32 to index
      %get3A_947 = arith.constant 32 : index
      %get3A_948 = tpu.vector_load %arg17[%get3A_946, %get3A_947] {strides = array<i32>} : memref<16x128xf32, #tpu.memory_space<vmem>>, vector<16xf32>,
      %add3A_949 = arith.addf %add3A_944, %get3A_948 : vector<16xf32>
      %get3A_950 = arith.constant 15 : i32
      %get3A_951 = arith.index_cast %get3A_950 : i32 to index
      %get3A_952 = arith.constant 32 : index
      %get3A_953 = tpu.vector_load %arg17[%get3A_951, %get3A_952] {strides = array<i32>} : memref<16x128xf32, #tpu.memory_space<vmem>>, vector<16xf32>,
      %add3A_954 = arith.addf %add3A_949, %get3A_953 : vector<16xf32>
      %mul3A_955 = arith.constant 0.00999999977 : f32
      %mul3A_956 = vector.broadcast %mul3A_955 : f32 to vector<16xf32>
      %mul3A_957 = arith.mulf %add3A_954, %mul3A_956 : vector<16xf32>
      %add3A_958 = arith.addf %mul3A_957, %mul3A_671 : vector<16xf32>
      %gather3A_959 = tpu.vector_load_idx %arg15[%add3A_307, %broadcast_in_dim3A_672] : memref<100x128xf32, #tpu.memory_space<vmem>>[vector<16xi32>, vector<16xi32>], vector<16xf32>,
      %swap3A_960 = arith.constant 0 : i32
      %swap3A_961 = arith.index_cast %swap3A_960 : i32 to index
      %swap3A_962 = arith.constant 32 : index
      %swap3A_963 = tpu.vector_load %arg18[%swap3A_961, %swap3A_962] {strides = array<i32>} : memref<3x128xf32, #tpu.memory_space<vmem>>, vector<16xf32>,
      tpu.vector_store %arg18[%swap3A_961, %swap3A_962], %gather3A_959 {strides = array<i32>} : memref<3x128xf32, #tpu.memory_space<vmem>>, vector<16xf32>,
      %mul3A_964 = arith.mulf %gather3A_959, %add3A_958 : vector<16xf32>
      %swap3A_965 = arith.constant 1 : i32
      %swap3A_966 = arith.index_cast %swap3A_965 : i32 to index
      %swap3A_967 = arith.constant 32 : index
      %swap3A_968 = tpu.vector_load %arg18[%swap3A_966, %swap3A_967] {strides = array<i32>} : memref<3x128xf32, #tpu.memory_space<vmem>>, vector<16xf32>,
      tpu.vector_store %arg18[%swap3A_966, %swap3A_967], %mul3A_964 {strides = array<i32>} : memref<3x128xf32, #tpu.memory_space<vmem>>, vector<16xf32>,
      %swap3A_969 = arith.constant 2 : i32
      %swap3A_970 = arith.index_cast %swap3A_969 : i32 to index
      %swap3A_971 = arith.constant 32 : index
      %swap3A_972 = tpu.vector_load %arg18[%swap3A_970, %swap3A_971] {strides = array<i32>} : memref<3x128xf32, #tpu.memory_space<vmem>>, vector<16xf32>,
      tpu.vector_store %arg18[%swap3A_970, %swap3A_971], %add3A_958 {strides = array<i32>} : memref<3x128xf32, #tpu.memory_space<vmem>>, vector<16xf32>,
      %broadcast_in_dim3A_973 = arith.constant 0.000000e+00 : f32
      %broadcast_in_dim3A_974 = vector.broadcast %broadcast_in_dim3A_973 : f32 to vector<16xf32>
      %get3A_975 = arith.constant 0 : i32
      %get3A_976 = arith.index_cast %get3A_975 : i32 to index
      %get3A_977 = arith.constant 48 : index
      %get3A_978 = tpu.vector_load %arg17[%get3A_976, %get3A_977] {strides = array<i32>} : memref<16x128xf32, #tpu.memory_space<vmem>>, vector<16xf32>,
      %add3A_979 = arith.addf %broadcast_in_dim3A_974, %get3A_978 : vector<16xf32>
      %get3A_980 = arith.constant 1 : i32
      %get3A_981 = arith.index_cast %get3A_980 : i32 to index
      %get3A_982 = arith.constant 48 : index
      %get3A_983 = tpu.vector_load %arg17[%get3A_981, %get3A_982] {strides = array<i32>} : memref<16x128xf32, #tpu.memory_space<vmem>>, vector<16xf32>,
      %add3A_984 = arith.addf %add3A_979, %get3A_983 : vector<16xf32>
      %get3A_985 = arith.constant 2 : i32
      %get3A_986 = arith.index_cast %get3A_985 : i32 to index
      %get3A_987 = arith.constant 48 : index
      %get3A_988 = tpu.vector_load %arg17[%get3A_986, %get3A_987] {strides = array<i32>} : memref<16x128xf32, #tpu.memory_space<vmem>>, vector<16xf32>,
      %add3A_989 = arith.addf %add3A_984, %get3A_988 : vector<16xf32>
      %get3A_990 = arith.constant 3 : i32
      %get3A_991 = arith.index_cast %get3A_990 : i32 to index
      %get3A_992 = arith.constant 48 : index
      %get3A_993 = tpu.vector_load %arg17[%get3A_991, %get3A_992] {strides = array<i32>} : memref<16x128xf32, #tpu.memory_space<vmem>>, vector<16xf32>,
      %add3A_994 = arith.addf %add3A_989, %get3A_993 : vector<16xf32>
      %get3A_995 = arith.constant 4 : i32
      %get3A_996 = arith.index_cast %get3A_995 : i32 to index
      %get3A_997 = arith.constant 48 : index
      %get3A_998 = tpu.vector_load %arg17[%get3A_996, %get3A_997] {strides = array<i32>} : memref<16x128xf32, #tpu.memory_space<vmem>>, vector<16xf32>,
      %add3A_999 = arith.addf %add3A_994, %get3A_998 : vector<16xf32>
      %get3A_1000 = arith.constant 5 : i32
      %get3A_1001 = arith.index_cast %get3A_1000 : i32 to index
      %get3A_1002 = arith.constant 48 : index
      %get3A_1003 = tpu.vector_load %arg17[%get3A_1001, %get3A_1002] {strides = array<i32>} : memref<16x128xf32, #tpu.memory_space<vmem>>, vector<16xf32>,
      %add3A_1004 = arith.addf %add3A_999, %get3A_1003 : vector<16xf32>
      %get3A_1005 = arith.constant 6 : i32
      %get3A_1006 = arith.index_cast %get3A_1005 : i32 to index
      %get3A_1007 = arith.constant 48 : index
      %get3A_1008 = tpu.vector_load %arg17[%get3A_1006, %get3A_1007] {strides = array<i32>} : memref<16x128xf32, #tpu.memory_space<vmem>>, vector<16xf32>,
      %add3A_1009 = arith.addf %add3A_1004, %get3A_1008 : vector<16xf32>
      %get3A_1010 = arith.constant 7 : i32
      %get3A_1011 = arith.index_cast %get3A_1010 : i32 to index
      %get3A_1012 = arith.constant 48 : index
      %get3A_1013 = tpu.vector_load %arg17[%get3A_1011, %get3A_1012] {strides = array<i32>} : memref<16x128xf32, #tpu.memory_space<vmem>>, vector<16xf32>,
      %add3A_1014 = arith.addf %add3A_1009, %get3A_1013 : vector<16xf32>
      %get3A_1015 = arith.constant 8 : i32
      %get3A_1016 = arith.index_cast %get3A_1015 : i32 to index
      %get3A_1017 = arith.constant 48 : index
      %get3A_1018 = tpu.vector_load %arg17[%get3A_1016, %get3A_1017] {strides = array<i32>} : memref<16x128xf32, #tpu.memory_space<vmem>>, vector<16xf32>,
      %add3A_1019 = arith.addf %add3A_1014, %get3A_1018 : vector<16xf32>
      %get3A_1020 = arith.constant 9 : i32
      %get3A_1021 = arith.index_cast %get3A_1020 : i32 to index
      %get3A_1022 = arith.constant 48 : index
      %get3A_1023 = tpu.vector_load %arg17[%get3A_1021, %get3A_1022] {strides = array<i32>} : memref<16x128xf32, #tpu.memory_space<vmem>>, vector<16xf32>,
      %add3A_1024 = arith.addf %add3A_1019, %get3A_1023 : vector<16xf32>
      %get3A_1025 = arith.constant 10 : i32
      %get3A_1026 = arith.index_cast %get3A_1025 : i32 to index
      %get3A_1027 = arith.constant 48 : index
      %get3A_1028 = tpu.vector_load %arg17[%get3A_1026, %get3A_1027] {strides = array<i32>} : memref<16x128xf32, #tpu.memory_space<vmem>>, vector<16xf32>,
      %add3A_1029 = arith.addf %add3A_1024, %get3A_1028 : vector<16xf32>
      %get3A_1030 = arith.constant 11 : i32
      %get3A_1031 = arith.index_cast %get3A_1030 : i32 to index
      %get3A_1032 = arith.constant 48 : index
      %get3A_1033 = tpu.vector_load %arg17[%get3A_1031, %get3A_1032] {strides = array<i32>} : memref<16x128xf32, #tpu.memory_space<vmem>>, vector<16xf32>,
      %add3A_1034 = arith.addf %add3A_1029, %get3A_1033 : vector<16xf32>
      %get3A_1035 = arith.constant 12 : i32
      %get3A_1036 = arith.index_cast %get3A_1035 : i32 to index
      %get3A_1037 = arith.constant 48 : index
      %get3A_1038 = tpu.vector_load %arg17[%get3A_1036, %get3A_1037] {strides = array<i32>} : memref<16x128xf32, #tpu.memory_space<vmem>>, vector<16xf32>,
      %add3A_1039 = arith.addf %add3A_1034, %get3A_1038 : vector<16xf32>
      %get3A_1040 = arith.constant 13 : i32
      %get3A_1041 = arith.index_cast %get3A_1040 : i32 to index
      %get3A_1042 = arith.constant 48 : index
      %get3A_1043 = tpu.vector_load %arg17[%get3A_1041, %get3A_1042] {strides = array<i32>} : memref<16x128xf32, #tpu.memory_space<vmem>>, vector<16xf32>,
      %add3A_1044 = arith.addf %add3A_1039, %get3A_1043 : vector<16xf32>
      %get3A_1045 = arith.constant 14 : i32
      %get3A_1046 = arith.index_cast %get3A_1045 : i32 to index
      %get3A_1047 = arith.constant 48 : index
      %get3A_1048 = tpu.vector_load %arg17[%get3A_1046, %get3A_1047] {strides = array<i32>} : memref<16x128xf32, #tpu.memory_space<vmem>>, vector<16xf32>,
      %add3A_1049 = arith.addf %add3A_1044, %get3A_1048 : vector<16xf32>
      %get3A_1050 = arith.constant 15 : i32
      %get3A_1051 = arith.index_cast %get3A_1050 : i32 to index
      %get3A_1052 = arith.constant 48 : index
      %get3A_1053 = tpu.vector_load %arg17[%get3A_1051, %get3A_1052] {strides = array<i32>} : memref<16x128xf32, #tpu.memory_space<vmem>>, vector<16xf32>,
      %add3A_1054 = arith.addf %add3A_1049, %get3A_1053 : vector<16xf32>
      %mul3A_1055 = arith.constant 0.00999999977 : f32
      %mul3A_1056 = vector.broadcast %mul3A_1055 : f32 to vector<16xf32>
      %mul3A_1057 = arith.mulf %add3A_1054, %mul3A_1056 : vector<16xf32>
      %add3A_1058 = arith.addf %mul3A_1057, %mul3A_671 : vector<16xf32>
      %gather3A_1059 = tpu.vector_load_idx %arg15[%add3A_310, %broadcast_in_dim3A_672] : memref<100x128xf32, #tpu.memory_space<vmem>>[vector<16xi32>, vector<16xi32>], vector<16xf32>,
      %swap3A_1060 = arith.constant 0 : i32
      %swap3A_1061 = arith.index_cast %swap3A_1060 : i32 to index
      %swap3A_1062 = arith.constant 48 : index
      %swap3A_1063 = tpu.vector_load %arg18[%swap3A_1061, %swap3A_1062] {strides = array<i32>} : memref<3x128xf32, #tpu.memory_space<vmem>>, vector<16xf32>,
      tpu.vector_store %arg18[%swap3A_1061, %swap3A_1062], %gather3A_1059 {strides = array<i32>} : memref<3x128xf32, #tpu.memory_space<vmem>>, vector<16xf32>,
      %mul3A_1064 = arith.mulf %gather3A_1059, %add3A_1058 : vector<16xf32>
      %swap3A_1065 = arith.constant 1 : i32
      %swap3A_1066 = arith.index_cast %swap3A_1065 : i32 to index
      %swap3A_1067 = arith.constant 48 : index
      %swap3A_1068 = tpu.vector_load %arg18[%swap3A_1066, %swap3A_1067] {strides = array<i32>} : memref<3x128xf32, #tpu.memory_space<vmem>>, vector<16xf32>,
      tpu.vector_store %arg18[%swap3A_1066, %swap3A_1067], %mul3A_1064 {strides = array<i32>} : memref<3x128xf32, #tpu.memory_space<vmem>>, vector<16xf32>,
      %swap3A_1069 = arith.constant 2 : i32
      %swap3A_1070 = arith.index_cast %swap3A_1069 : i32 to index
      %swap3A_1071 = arith.constant 48 : index
      %swap3A_1072 = tpu.vector_load %arg18[%swap3A_1070, %swap3A_1071] {strides = array<i32>} : memref<3x128xf32, #tpu.memory_space<vmem>>, vector<16xf32>,
      tpu.vector_store %arg18[%swap3A_1070, %swap3A_1071], %add3A_1058 {strides = array<i32>} : memref<3x128xf32, #tpu.memory_space<vmem>>, vector<16xf32>,
      %broadcast_in_dim3A_1073 = arith.constant 0.000000e+00 : f32
      %broadcast_in_dim3A_1074 = vector.broadcast %broadcast_in_dim3A_1073 : f32 to vector<16xf32>
      %get3A_1075 = arith.constant 0 : i32
      %get3A_1076 = arith.index_cast %get3A_1075 : i32 to index
      %get3A_1077 = arith.constant 64 : index
      %get3A_1078 = tpu.vector_load %arg17[%get3A_1076, %get3A_1077] {strides = array<i32>} : memref<16x128xf32, #tpu.memory_space<vmem>>, vector<16xf32>,
      %add3A_1079 = arith.addf %broadcast_in_dim3A_1074, %get3A_1078 : vector<16xf32>
      %get3A_1080 = arith.constant 1 : i32
      %get3A_1081 = arith.index_cast %get3A_1080 : i32 to index
      %get3A_1082 = arith.constant 64 : index
      %get3A_1083 = tpu.vector_load %arg17[%get3A_1081, %get3A_1082] {strides = array<i32>} : memref<16x128xf32, #tpu.memory_space<vmem>>, vector<16xf32>,
      %add3A_1084 = arith.addf %add3A_1079, %get3A_1083 : vector<16xf32>
      %get3A_1085 = arith.constant 2 : i32
      %get3A_1086 = arith.index_cast %get3A_1085 : i32 to index
      %get3A_1087 = arith.constant 64 : index
      %get3A_1088 = tpu.vector_load %arg17[%get3A_1086, %get3A_1087] {strides = array<i32>} : memref<16x128xf32, #tpu.memory_space<vmem>>, vector<16xf32>,
      %add3A_1089 = arith.addf %add3A_1084, %get3A_1088 : vector<16xf32>
      %get3A_1090 = arith.constant 3 : i32
      %get3A_1091 = arith.index_cast %get3A_1090 : i32 to index
      %get3A_1092 = arith.constant 64 : index
      %get3A_1093 = tpu.vector_load %arg17[%get3A_1091, %get3A_1092] {strides = array<i32>} : memref<16x128xf32, #tpu.memory_space<vmem>>, vector<16xf32>,
      %add3A_1094 = arith.addf %add3A_1089, %get3A_1093 : vector<16xf32>
      %get3A_1095 = arith.constant 4 : i32
      %get3A_1096 = arith.index_cast %get3A_1095 : i32 to index
      %get3A_1097 = arith.constant 64 : index
      %get3A_1098 = tpu.vector_load %arg17[%get3A_1096, %get3A_1097] {strides = array<i32>} : memref<16x128xf32, #tpu.memory_space<vmem>>, vector<16xf32>,
      %add3A_1099 = arith.addf %add3A_1094, %get3A_1098 : vector<16xf32>
      %get3A_1100 = arith.constant 5 : i32
      %get3A_1101 = arith.index_cast %get3A_1100 : i32 to index
      %get3A_1102 = arith.constant 64 : index
      %get3A_1103 = tpu.vector_load %arg17[%get3A_1101, %get3A_1102] {strides = array<i32>} : memref<16x128xf32, #tpu.memory_space<vmem>>, vector<16xf32>,
      %add3A_1104 = arith.addf %add3A_1099, %get3A_1103 : vector<16xf32>
      %get3A_1105 = arith.constant 6 : i32
      %get3A_1106 = arith.index_cast %get3A_1105 : i32 to index
      %get3A_1107 = arith.constant 64 : index
      %get3A_1108 = tpu.vector_load %arg17[%get3A_1106, %get3A_1107] {strides = array<i32>} : memref<16x128xf32, #tpu.memory_space<vmem>>, vector<16xf32>,
      %add3A_1109 = arith.addf %add3A_1104, %get3A_1108 : vector<16xf32>
      %get3A_1110 = arith.constant 7 : i32
      %get3A_1111 = arith.index_cast %get3A_1110 : i32 to index
      %get3A_1112 = arith.constant 64 : index
      %get3A_1113 = tpu.vector_load %arg17[%get3A_1111, %get3A_1112] {strides = array<i32>} : memref<16x128xf32, #tpu.memory_space<vmem>>, vector<16xf32>,
      %add3A_1114 = arith.addf %add3A_1109, %get3A_1113 : vector<16xf32>
      %get3A_1115 = arith.constant 8 : i32
      %get3A_1116 = arith.index_cast %get3A_1115 : i32 to index
      %get3A_1117 = arith.constant 64 : index
      %get3A_1118 = tpu.vector_load %arg17[%get3A_1116, %get3A_1117] {strides = array<i32>} : memref<16x128xf32, #tpu.memory_space<vmem>>, vector<16xf32>,
      %add3A_1119 = arith.addf %add3A_1114, %get3A_1118 : vector<16xf32>
      %get3A_1120 = arith.constant 9 : i32
      %get3A_1121 = arith.index_cast %get3A_1120 : i32 to index
      %get3A_1122 = arith.constant 64 : index
      %get3A_1123 = tpu.vector_load %arg17[%get3A_1121, %get3A_1122] {strides = array<i32>} : memref<16x128xf32, #tpu.memory_space<vmem>>, vector<16xf32>,
      %add3A_1124 = arith.addf %add3A_1119, %get3A_1123 : vector<16xf32>
      %get3A_1125 = arith.constant 10 : i32
      %get3A_1126 = arith.index_cast %get3A_1125 : i32 to index
      %get3A_1127 = arith.constant 64 : index
      %get3A_1128 = tpu.vector_load %arg17[%get3A_1126, %get3A_1127] {strides = array<i32>} : memref<16x128xf32, #tpu.memory_space<vmem>>, vector<16xf32>,
      %add3A_1129 = arith.addf %add3A_1124, %get3A_1128 : vector<16xf32>
      %get3A_1130 = arith.constant 11 : i32
      %get3A_1131 = arith.index_cast %get3A_1130 : i32 to index
      %get3A_1132 = arith.constant 64 : index
      %get3A_1133 = tpu.vector_load %arg17[%get3A_1131, %get3A_1132] {strides = array<i32>} : memref<16x128xf32, #tpu.memory_space<vmem>>, vector<16xf32>,
      %add3A_1134 = arith.addf %add3A_1129, %get3A_1133 : vector<16xf32>
      %get3A_1135 = arith.constant 12 : i32
      %get3A_1136 = arith.index_cast %get3A_1135 : i32 to index
      %get3A_1137 = arith.constant 64 : index
      %get3A_1138 = tpu.vector_load %arg17[%get3A_1136, %get3A_1137] {strides = array<i32>} : memref<16x128xf32, #tpu.memory_space<vmem>>, vector<16xf32>,
      %add3A_1139 = arith.addf %add3A_1134, %get3A_1138 : vector<16xf32>
      %get3A_1140 = arith.constant 13 : i32
      %get3A_1141 = arith.index_cast %get3A_1140 : i32 to index
      %get3A_1142 = arith.constant 64 : index
      %get3A_1143 = tpu.vector_load %arg17[%get3A_1141, %get3A_1142] {strides = array<i32>} : memref<16x128xf32, #tpu.memory_space<vmem>>, vector<16xf32>,
      %add3A_1144 = arith.addf %add3A_1139, %get3A_1143 : vector<16xf32>
      %get3A_1145 = arith.constant 14 : i32
      %get3A_1146 = arith.index_cast %get3A_1145 : i32 to index
      %get3A_1147 = arith.constant 64 : index
      %get3A_1148 = tpu.vector_load %arg17[%get3A_1146, %get3A_1147] {strides = array<i32>} : memref<16x128xf32, #tpu.memory_space<vmem>>, vector<16xf32>,
      %add3A_1149 = arith.addf %add3A_1144, %get3A_1148 : vector<16xf32>
      %get3A_1150 = arith.constant 15 : i32
      %get3A_1151 = arith.index_cast %get3A_1150 : i32 to index
      %get3A_1152 = arith.constant 64 : index
      %get3A_1153 = tpu.vector_load %arg17[%get3A_1151, %get3A_1152] {strides = array<i32>} : memref<16x128xf32, #tpu.memory_space<vmem>>, vector<16xf32>,
      %add3A_1154 = arith.addf %add3A_1149, %get3A_1153 : vector<16xf32>
      %mul3A_1155 = arith.constant 0.00999999977 : f32
      %mul3A_1156 = vector.broadcast %mul3A_1155 : f32 to vector<16xf32>
      %mul3A_1157 = arith.mulf %add3A_1154, %mul3A_1156 : vector<16xf32>
      %add3A_1158 = arith.addf %mul3A_1157, %mul3A_671 : vector<16xf32>
      %gather3A_1159 = tpu.vector_load_idx %arg15[%add3A_313, %broadcast_in_dim3A_672] : memref<100x128xf32, #tpu.memory_space<vmem>>[vector<16xi32>, vector<16xi32>], vector<16xf32>,
      %swap3A_1160 = arith.constant 0 : i32
      %swap3A_1161 = arith.index_cast %swap3A_1160 : i32 to index
      %swap3A_1162 = arith.constant 64 : index
      %swap3A_1163 = tpu.vector_load %arg18[%swap3A_1161, %swap3A_1162] {strides = array<i32>} : memref<3x128xf32, #tpu.memory_space<vmem>>, vector<16xf32>,
      tpu.vector_store %arg18[%swap3A_1161, %swap3A_1162], %gather3A_1159 {strides = array<i32>} : memref<3x128xf32, #tpu.memory_space<vmem>>, vector<16xf32>,
      %mul3A_1164 = arith.mulf %gather3A_1159, %add3A_1158 : vector<16xf32>
      %swap3A_1165 = arith.constant 1 : i32
      %swap3A_1166 = arith.index_cast %swap3A_1165 : i32 to index
      %swap3A_1167 = arith.constant 64 : index
      %swap3A_1168 = tpu.vector_load %arg18[%swap3A_1166, %swap3A_1167] {strides = array<i32>} : memref<3x128xf32, #tpu.memory_space<vmem>>, vector<16xf32>,
      tpu.vector_store %arg18[%swap3A_1166, %swap3A_1167], %mul3A_1164 {strides = array<i32>} : memref<3x128xf32, #tpu.memory_space<vmem>>, vector<16xf32>,
      %swap3A_1169 = arith.constant 2 : i32
      %swap3A_1170 = arith.index_cast %swap3A_1169 : i32 to index
      %swap3A_1171 = arith.constant 64 : index
      %swap3A_1172 = tpu.vector_load %arg18[%swap3A_1170, %swap3A_1171] {strides = array<i32>} : memref<3x128xf32, #tpu.memory_space<vmem>>, vector<16xf32>,
      tpu.vector_store %arg18[%swap3A_1170, %swap3A_1171], %add3A_1158 {strides = array<i32>} : memref<3x128xf32, #tpu.memory_space<vmem>>, vector<16xf32>,
      %broadcast_in_dim3A_1173 = arith.constant 0.000000e+00 : f32
      %broadcast_in_dim3A_1174 = vector.broadcast %broadcast_in_dim3A_1173 : f32 to vector<16xf32>
      %get3A_1175 = arith.constant 0 : i32
      %get3A_1176 = arith.index_cast %get3A_1175 : i32 to index
      %get3A_1177 = arith.constant 80 : index
      %get3A_1178 = tpu.vector_load %arg17[%get3A_1176, %get3A_1177] {strides = array<i32>} : memref<16x128xf32, #tpu.memory_space<vmem>>, vector<16xf32>,
      %add3A_1179 = arith.addf %broadcast_in_dim3A_1174, %get3A_1178 : vector<16xf32>
      %get3A_1180 = arith.constant 1 : i32
      %get3A_1181 = arith.index_cast %get3A_1180 : i32 to index
      %get3A_1182 = arith.constant 80 : index
      %get3A_1183 = tpu.vector_load %arg17[%get3A_1181, %get3A_1182] {strides = array<i32>} : memref<16x128xf32, #tpu.memory_space<vmem>>, vector<16xf32>,
      %add3A_1184 = arith.addf %add3A_1179, %get3A_1183 : vector<16xf32>
      %get3A_1185 = arith.constant 2 : i32
      %get3A_1186 = arith.index_cast %get3A_1185 : i32 to index
      %get3A_1187 = arith.constant 80 : index
      %get3A_1188 = tpu.vector_load %arg17[%get3A_1186, %get3A_1187] {strides = array<i32>} : memref<16x128xf32, #tpu.memory_space<vmem>>, vector<16xf32>,
      %add3A_1189 = arith.addf %add3A_1184, %get3A_1188 : vector<16xf32>
      %get3A_1190 = arith.constant 3 : i32
      %get3A_1191 = arith.index_cast %get3A_1190 : i32 to index
      %get3A_1192 = arith.constant 80 : index
      %get3A_1193 = tpu.vector_load %arg17[%get3A_1191, %get3A_1192] {strides = array<i32>} : memref<16x128xf32, #tpu.memory_space<vmem>>, vector<16xf32>,
      %add3A_1194 = arith.addf %add3A_1189, %get3A_1193 : vector<16xf32>
      %get3A_1195 = arith.constant 4 : i32
      %get3A_1196 = arith.index_cast %get3A_1195 : i32 to index
      %get3A_1197 = arith.constant 80 : index
      %get3A_1198 = tpu.vector_load %arg17[%get3A_1196, %get3A_1197] {strides = array<i32>} : memref<16x128xf32, #tpu.memory_space<vmem>>, vector<16xf32>,
      %add3A_1199 = arith.addf %add3A_1194, %get3A_1198 : vector<16xf32>
      %get3A_1200 = arith.constant 5 : i32
      %get3A_1201 = arith.index_cast %get3A_1200 : i32 to index
      %get3A_1202 = arith.constant 80 : index
      %get3A_1203 = tpu.vector_load %arg17[%get3A_1201, %get3A_1202] {strides = array<i32>} : memref<16x128xf32, #tpu.memory_space<vmem>>, vector<16xf32>,
      %add3A_1204 = arith.addf %add3A_1199, %get3A_1203 : vector<16xf32>
      %get3A_1205 = arith.constant 6 : i32
      %get3A_1206 = arith.index_cast %get3A_1205 : i32 to index
      %get3A_1207 = arith.constant 80 : index
      %get3A_1208 = tpu.vector_load %arg17[%get3A_1206, %get3A_1207] {strides = array<i32>} : memref<16x128xf32, #tpu.memory_space<vmem>>, vector<16xf32>,
      %add3A_1209 = arith.addf %add3A_1204, %get3A_1208 : vector<16xf32>
      %get3A_1210 = arith.constant 7 : i32
      %get3A_1211 = arith.index_cast %get3A_1210 : i32 to index
      %get3A_1212 = arith.constant 80 : index
      %get3A_1213 = tpu.vector_load %arg17[%get3A_1211, %get3A_1212] {strides = array<i32>} : memref<16x128xf32, #tpu.memory_space<vmem>>, vector<16xf32>,
      %add3A_1214 = arith.addf %add3A_1209, %get3A_1213 : vector<16xf32>
      %get3A_1215 = arith.constant 8 : i32
      %get3A_1216 = arith.index_cast %get3A_1215 : i32 to index
      %get3A_1217 = arith.constant 80 : index
      %get3A_1218 = tpu.vector_load %arg17[%get3A_1216, %get3A_1217] {strides = array<i32>} : memref<16x128xf32, #tpu.memory_space<vmem>>, vector<16xf32>,
      %add3A_1219 = arith.addf %add3A_1214, %get3A_1218 : vector<16xf32>
      %get3A_1220 = arith.constant 9 : i32
      %get3A_1221 = arith.index_cast %get3A_1220 : i32 to index
      %get3A_1222 = arith.constant 80 : index
      %get3A_1223 = tpu.vector_load %arg17[%get3A_1221, %get3A_1222] {strides = array<i32>} : memref<16x128xf32, #tpu.memory_space<vmem>>, vector<16xf32>,
      %add3A_1224 = arith.addf %add3A_1219, %get3A_1223 : vector<16xf32>
      %get3A_1225 = arith.constant 10 : i32
      %get3A_1226 = arith.index_cast %get3A_1225 : i32 to index
      %get3A_1227 = arith.constant 80 : index
      %get3A_1228 = tpu.vector_load %arg17[%get3A_1226, %get3A_1227] {strides = array<i32>} : memref<16x128xf32, #tpu.memory_space<vmem>>, vector<16xf32>,
      %add3A_1229 = arith.addf %add3A_1224, %get3A_1228 : vector<16xf32>
      %get3A_1230 = arith.constant 11 : i32
      %get3A_1231 = arith.index_cast %get3A_1230 : i32 to index
      %get3A_1232 = arith.constant 80 : index
      %get3A_1233 = tpu.vector_load %arg17[%get3A_1231, %get3A_1232] {strides = array<i32>} : memref<16x128xf32, #tpu.memory_space<vmem>>, vector<16xf32>,
      %add3A_1234 = arith.addf %add3A_1229, %get3A_1233 : vector<16xf32>
      %get3A_1235 = arith.constant 12 : i32
      %get3A_1236 = arith.index_cast %get3A_1235 : i32 to index
      %get3A_1237 = arith.constant 80 : index
      %get3A_1238 = tpu.vector_load %arg17[%get3A_1236, %get3A_1237] {strides = array<i32>} : memref<16x128xf32, #tpu.memory_space<vmem>>, vector<16xf32>,
      %add3A_1239 = arith.addf %add3A_1234, %get3A_1238 : vector<16xf32>
      %get3A_1240 = arith.constant 13 : i32
      %get3A_1241 = arith.index_cast %get3A_1240 : i32 to index
      %get3A_1242 = arith.constant 80 : index
      %get3A_1243 = tpu.vector_load %arg17[%get3A_1241, %get3A_1242] {strides = array<i32>} : memref<16x128xf32, #tpu.memory_space<vmem>>, vector<16xf32>,
      %add3A_1244 = arith.addf %add3A_1239, %get3A_1243 : vector<16xf32>
      %get3A_1245 = arith.constant 14 : i32
      %get3A_1246 = arith.index_cast %get3A_1245 : i32 to index
      %get3A_1247 = arith.constant 80 : index
      %get3A_1248 = tpu.vector_load %arg17[%get3A_1246, %get3A_1247] {strides = array<i32>} : memref<16x128xf32, #tpu.memory_space<vmem>>, vector<16xf32>,
      %add3A_1249 = arith.addf %add3A_1244, %get3A_1248 : vector<16xf32>
      %get3A_1250 = arith.constant 15 : i32
      %get3A_1251 = arith.index_cast %get3A_1250 : i32 to index
      %get3A_1252 = arith.constant 80 : index
      %get3A_1253 = tpu.vector_load %arg17[%get3A_1251, %get3A_1252] {strides = array<i32>} : memref<16x128xf32, #tpu.memory_space<vmem>>, vector<16xf32>,
      %add3A_1254 = arith.addf %add3A_1249, %get3A_1253 : vector<16xf32>
      %mul3A_1255 = arith.constant 0.00999999977 : f32
      %mul3A_1256 = vector.broadcast %mul3A_1255 : f32 to vector<16xf32>
      %mul3A_1257 = arith.mulf %add3A_1254, %mul3A_1256 : vector<16xf32>
      %add3A_1258 = arith.addf %mul3A_1257, %mul3A_671 : vector<16xf32>
      %gather3A_1259 = tpu.vector_load_idx %arg15[%add3A_316, %broadcast_in_dim3A_672] : memref<100x128xf32, #tpu.memory_space<vmem>>[vector<16xi32>, vector<16xi32>], vector<16xf32>,
      %swap3A_1260 = arith.constant 0 : i32
      %swap3A_1261 = arith.index_cast %swap3A_1260 : i32 to index
      %swap3A_1262 = arith.constant 80 : index
      %swap3A_1263 = tpu.vector_load %arg18[%swap3A_1261, %swap3A_1262] {strides = array<i32>} : memref<3x128xf32, #tpu.memory_space<vmem>>, vector<16xf32>,
      tpu.vector_store %arg18[%swap3A_1261, %swap3A_1262], %gather3A_1259 {strides = array<i32>} : memref<3x128xf32, #tpu.memory_space<vmem>>, vector<16xf32>,
      %mul3A_1264 = arith.mulf %gather3A_1259, %add3A_1258 : vector<16xf32>
      %swap3A_1265 = arith.constant 1 : i32
      %swap3A_1266 = arith.index_cast %swap3A_1265 : i32 to index
      %swap3A_1267 = arith.constant 80 : index
      %swap3A_1268 = tpu.vector_load %arg18[%swap3A_1266, %swap3A_1267] {strides = array<i32>} : memref<3x128xf32, #tpu.memory_space<vmem>>, vector<16xf32>,
      tpu.vector_store %arg18[%swap3A_1266, %swap3A_1267], %mul3A_1264 {strides = array<i32>} : memref<3x128xf32, #tpu.memory_space<vmem>>, vector<16xf32>,
      %swap3A_1269 = arith.constant 2 : i32
      %swap3A_1270 = arith.index_cast %swap3A_1269 : i32 to index
      %swap3A_1271 = arith.constant 80 : index
      %swap3A_1272 = tpu.vector_load %arg18[%swap3A_1270, %swap3A_1271] {strides = array<i32>} : memref<3x128xf32, #tpu.memory_space<vmem>>, vector<16xf32>,
      tpu.vector_store %arg18[%swap3A_1270, %swap3A_1271], %add3A_1258 {strides = array<i32>} : memref<3x128xf32, #tpu.memory_space<vmem>>, vector<16xf32>,
      %broadcast_in_dim3A_1273 = arith.constant 0.000000e+00 : f32
      %broadcast_in_dim3A_1274 = vector.broadcast %broadcast_in_dim3A_1273 : f32 to vector<16xf32>
      %get3A_1275 = arith.constant 0 : i32
      %get3A_1276 = arith.index_cast %get3A_1275 : i32 to index
      %get3A_1277 = arith.constant 84 : index
      %get3A_1278 = tpu.vector_load %arg17[%get3A_1276, %get3A_1277] {strides = array<i32>} : memref<16x128xf32, #tpu.memory_space<vmem>>, vector<16xf32>,
      %add3A_1279 = arith.addf %broadcast_in_dim3A_1274, %get3A_1278 : vector<16xf32>
      %get3A_1280 = arith.constant 1 : i32
      %get3A_1281 = arith.index_cast %get3A_1280 : i32 to index
      %get3A_1282 = arith.constant 84 : index
      %get3A_1283 = tpu.vector_load %arg17[%get3A_1281, %get3A_1282] {strides = array<i32>} : memref<16x128xf32, #tpu.memory_space<vmem>>, vector<16xf32>,
      %add3A_1284 = arith.addf %add3A_1279, %get3A_1283 : vector<16xf32>
      %get3A_1285 = arith.constant 2 : i32
      %get3A_1286 = arith.index_cast %get3A_1285 : i32 to index
      %get3A_1287 = arith.constant 84 : index
      %get3A_1288 = tpu.vector_load %arg17[%get3A_1286, %get3A_1287] {strides = array<i32>} : memref<16x128xf32, #tpu.memory_space<vmem>>, vector<16xf32>,
      %add3A_1289 = arith.addf %add3A_1284, %get3A_1288 : vector<16xf32>
      %get3A_1290 = arith.constant 3 : i32
      %get3A_1291 = arith.index_cast %get3A_1290 : i32 to index
      %get3A_1292 = arith.constant 84 : index
      %get3A_1293 = tpu.vector_load %arg17[%get3A_1291, %get3A_1292] {strides = array<i32>} : memref<16x128xf32, #tpu.memory_space<vmem>>, vector<16xf32>,
      %add3A_1294 = arith.addf %add3A_1289, %get3A_1293 : vector<16xf32>
      %get3A_1295 = arith.constant 4 : i32
      %get3A_1296 = arith.index_cast %get3A_1295 : i32 to index
      %get3A_1297 = arith.constant 84 : index
      %get3A_1298 = tpu.vector_load %arg17[%get3A_1296, %get3A_1297] {strides = array<i32>} : memref<16x128xf32, #tpu.memory_space<vmem>>, vector<16xf32>,
      %add3A_1299 = arith.addf %add3A_1294, %get3A_1298 : vector<16xf32>
      %get3A_1300 = arith.constant 5 : i32
      %get3A_1301 = arith.index_cast %get3A_1300 : i32 to index
      %get3A_1302 = arith.constant 84 : index
      %get3A_1303 = tpu.vector_load %arg17[%get3A_1301, %get3A_1302] {strides = array<i32>} : memref<16x128xf32, #tpu.memory_space<vmem>>, vector<16xf32>,
      %add3A_1304 = arith.addf %add3A_1299, %get3A_1303 : vector<16xf32>
      %get3A_1305 = arith.constant 6 : i32
      %get3A_1306 = arith.index_cast %get3A_1305 : i32 to index
      %get3A_1307 = arith.constant 84 : index
      %get3A_1308 = tpu.vector_load %arg17[%get3A_1306, %get3A_1307] {strides = array<i32>} : memref<16x128xf32, #tpu.memory_space<vmem>>, vector<16xf32>,
      %add3A_1309 = arith.addf %add3A_1304, %get3A_1308 : vector<16xf32>
      %get3A_1310 = arith.constant 7 : i32
      %get3A_1311 = arith.index_cast %get3A_1310 : i32 to index
      %get3A_1312 = arith.constant 84 : index
      %get3A_1313 = tpu.vector_load %arg17[%get3A_1311, %get3A_1312] {strides = array<i32>} : memref<16x128xf32, #tpu.memory_space<vmem>>, vector<16xf32>,
      %add3A_1314 = arith.addf %add3A_1309, %get3A_1313 : vector<16xf32>
      %get3A_1315 = arith.constant 8 : i32
      %get3A_1316 = arith.index_cast %get3A_1315 : i32 to index
      %get3A_1317 = arith.constant 84 : index
      %get3A_1318 = tpu.vector_load %arg17[%get3A_1316, %get3A_1317] {strides = array<i32>} : memref<16x128xf32, #tpu.memory_space<vmem>>, vector<16xf32>,
      %add3A_1319 = arith.addf %add3A_1314, %get3A_1318 : vector<16xf32>
      %get3A_1320 = arith.constant 9 : i32
      %get3A_1321 = arith.index_cast %get3A_1320 : i32 to index
      %get3A_1322 = arith.constant 84 : index
      %get3A_1323 = tpu.vector_load %arg17[%get3A_1321, %get3A_1322] {strides = array<i32>} : memref<16x128xf32, #tpu.memory_space<vmem>>, vector<16xf32>,
      %add3A_1324 = arith.addf %add3A_1319, %get3A_1323 : vector<16xf32>
      %get3A_1325 = arith.constant 10 : i32
      %get3A_1326 = arith.index_cast %get3A_1325 : i32 to index
      %get3A_1327 = arith.constant 84 : index
      %get3A_1328 = tpu.vector_load %arg17[%get3A_1326, %get3A_1327] {strides = array<i32>} : memref<16x128xf32, #tpu.memory_space<vmem>>, vector<16xf32>,
      %add3A_1329 = arith.addf %add3A_1324, %get3A_1328 : vector<16xf32>
      %get3A_1330 = arith.constant 11 : i32
      %get3A_1331 = arith.index_cast %get3A_1330 : i32 to index
      %get3A_1332 = arith.constant 84 : index
      %get3A_1333 = tpu.vector_load %arg17[%get3A_1331, %get3A_1332] {strides = array<i32>} : memref<16x128xf32, #tpu.memory_space<vmem>>, vector<16xf32>,
      %add3A_1334 = arith.addf %add3A_1329, %get3A_1333 : vector<16xf32>
      %get3A_1335 = arith.constant 12 : i32
      %get3A_1336 = arith.index_cast %get3A_1335 : i32 to index
      %get3A_1337 = arith.constant 84 : index
      %get3A_1338 = tpu.vector_load %arg17[%get3A_1336, %get3A_1337] {strides = array<i32>} : memref<16x128xf32, #tpu.memory_space<vmem>>, vector<16xf32>,
      %add3A_1339 = arith.addf %add3A_1334, %get3A_1338 : vector<16xf32>
      %get3A_1340 = arith.constant 13 : i32
      %get3A_1341 = arith.index_cast %get3A_1340 : i32 to index
      %get3A_1342 = arith.constant 84 : index
      %get3A_1343 = tpu.vector_load %arg17[%get3A_1341, %get3A_1342] {strides = array<i32>} : memref<16x128xf32, #tpu.memory_space<vmem>>, vector<16xf32>,
      %add3A_1344 = arith.addf %add3A_1339, %get3A_1343 : vector<16xf32>
      %get3A_1345 = arith.constant 14 : i32
      %get3A_1346 = arith.index_cast %get3A_1345 : i32 to index
      %get3A_1347 = arith.constant 84 : index
      %get3A_1348 = tpu.vector_load %arg17[%get3A_1346, %get3A_1347] {strides = array<i32>} : memref<16x128xf32, #tpu.memory_space<vmem>>, vector<16xf32>,
      %add3A_1349 = arith.addf %add3A_1344, %get3A_1348 : vector<16xf32>
      %get3A_1350 = arith.constant 15 : i32
      %get3A_1351 = arith.index_cast %get3A_1350 : i32 to index
      %get3A_1352 = arith.constant 84 : index
      %get3A_1353 = tpu.vector_load %arg17[%get3A_1351, %get3A_1352] {strides = array<i32>} : memref<16x128xf32, #tpu.memory_space<vmem>>, vector<16xf32>,
      %add3A_1354 = arith.addf %add3A_1349, %get3A_1353 : vector<16xf32>
      %mul3A_1355 = arith.constant 0.00999999977 : f32
      %mul3A_1356 = vector.broadcast %mul3A_1355 : f32 to vector<16xf32>
      %mul3A_1357 = arith.mulf %add3A_1354, %mul3A_1356 : vector<16xf32>
      %add3A_1358 = arith.addf %mul3A_1357, %mul3A_671 : vector<16xf32>
      %gather3A_1359 = tpu.vector_load_idx %arg15[%add3A_319, %broadcast_in_dim3A_672] : memref<100x128xf32, #tpu.memory_space<vmem>>[vector<16xi32>, vector<16xi32>], vector<16xf32>,
      %swap3A_1360 = arith.constant 0 : i32
      %swap3A_1361 = arith.index_cast %swap3A_1360 : i32 to index
      %swap3A_1362 = arith.constant 84 : index
      %swap3A_1363 = tpu.vector_load %arg18[%swap3A_1361, %swap3A_1362] {strides = array<i32>} : memref<3x128xf32, #tpu.memory_space<vmem>>, vector<16xf32>,
      tpu.vector_store %arg18[%swap3A_1361, %swap3A_1362], %gather3A_1359 {strides = array<i32>} : memref<3x128xf32, #tpu.memory_space<vmem>>, vector<16xf32>,
      %mul3A_1364 = arith.mulf %gather3A_1359, %add3A_1358 : vector<16xf32>
      %swap3A_1365 = arith.constant 1 : i32
      %swap3A_1366 = arith.index_cast %swap3A_1365 : i32 to index
      %swap3A_1367 = arith.constant 84 : index
      %swap3A_1368 = tpu.vector_load %arg18[%swap3A_1366, %swap3A_1367] {strides = array<i32>} : memref<3x128xf32, #tpu.memory_space<vmem>>, vector<16xf32>,
      tpu.vector_store %arg18[%swap3A_1366, %swap3A_1367], %mul3A_1364 {strides = array<i32>} : memref<3x128xf32, #tpu.memory_space<vmem>>, vector<16xf32>,
      %swap3A_1369 = arith.constant 2 : i32
      %swap3A_1370 = arith.index_cast %swap3A_1369 : i32 to index
      %swap3A_1371 = arith.constant 84 : index
      %swap3A_1372 = tpu.vector_load %arg18[%swap3A_1370, %swap3A_1371] {strides = array<i32>} : memref<3x128xf32, #tpu.memory_space<vmem>>, vector<16xf32>,
      tpu.vector_store %arg18[%swap3A_1370, %swap3A_1371], %add3A_1358 {strides = array<i32>} : memref<3x128xf32, #tpu.memory_space<vmem>>, vector<16xf32>,
      "tpu.region"() ({
        %run_scoped3A = tpu.sem_alloc : memref<!tpu.dma_semaphore, #tpu.memory_space<semaphore_mem>>
        %dma_start3A_1373 = arith.constant 0 : i32
        %dma_start3A_1374 = arith.constant 0 : i32
        %dma_start3A_1375 = tpu.memref_slice %arg7[%arg0, %dma_start3A_1373, %dma_start3A_1374] : memref<2x3x128xf32, #tpu.memory_space<hbm>> -> memref<1x3x128xf32, #tpu.memory_space<hbm>>
        %dma_start3A_1376 = tpu.memref_squeeze %dma_start3A_1375 : memref<1x3x128xf32, #tpu.memory_space<hbm>> -> memref<3x128xf32, #tpu.memory_space<hbm>>
        %dma_start3A_1377 = arith.constant 0 : i32
        %dma_start3A_1378 = arith.constant 0 : i32
        %dma_start3A_1379 = tpu.memref_slice %arg7[%arg0, %dma_start3A_1377, %dma_start3A_1378] : memref<2x3x128xf32, #tpu.memory_space<hbm>> -> memref<1x3x128xf32, #tpu.memory_space<hbm>>
        %dma_start3A_1380 = tpu.memref_squeeze %dma_start3A_1379 : memref<1x3x128xf32, #tpu.memory_space<hbm>> -> memref<3x128xf32, #tpu.memory_space<hbm>>
        tpu.enqueue_dma source(%arg18 : memref<3x128xf32, #tpu.memory_space<vmem>>) target(%dma_start3A_1380 : memref<3x128xf32, #tpu.memory_space<hbm>>) target_semaphore(%run_scoped3A : memref<!tpu.dma_semaphore, #tpu.memory_space<semaphore_mem>>)
        %dma_wait3A_1381 = arith.constant 0 : i32
        %dma_wait3A_1382 = arith.constant 0 : i32
        %dma_wait3A_1383 = tpu.memref_slice %arg7[%arg0, %dma_wait3A_1381, %dma_wait3A_1382] : memref<2x3x128xf32, #tpu.memory_space<hbm>> -> memref<1x3x128xf32, #tpu.memory_space<hbm>>
        %dma_wait3A_1384 = tpu.memref_squeeze %dma_wait3A_1383 : memref<1x3x128xf32, #tpu.memory_space<hbm>> -> memref<3x128xf32, #tpu.memory_space<hbm>>
        %dma_wait3A_1385 = arith.constant 0 : i32
        %dma_wait3A_1386 = arith.constant 0 : i32
        %dma_wait3A_1387 = tpu.memref_slice %arg7[%arg0, %dma_wait3A_1385, %dma_wait3A_1386] : memref<2x3x128xf32, #tpu.memory_space<hbm>> -> memref<1x3x128xf32, #tpu.memory_space<hbm>>
        %dma_wait3A_1388 = tpu.memref_squeeze %dma_wait3A_1387 : memref<1x3x128xf32, #tpu.memory_space<hbm>> -> memref<3x128xf32, #tpu.memory_space<hbm>>
        tpu.wait_dma2 semaphore(%run_scoped3A : memref<!tpu.dma_semaphore, #tpu.memory_space<semaphore_mem>>) src(%arg18 : memref<3x128xf32, #tpu.memory_space<vmem>>) dst(%dma_wait3A_1388 : memref<3x128xf32, #tpu.memory_space<hbm>>)
        tpu.yield
      }) : () -> ()
    } else {
    }
    return
  }
}

</mosaic_0001>

<sc_bundles>
// kernel: _sc_call.3.cloned.1.call-start
scs
__scs_entry_jumppad:
0x0: {  	(pc) =	sbr.rel $0x88, $3  }
0x1: {  	(tag) =	ssettag $0x0;
	lr =	simm.s32 $0x1  }
0x2: {  	[smem:$0x3F9C] =	sst lr;
	_ =	strace $0xD0000000  }
0x3: {  	_ = 	snop  }
0x4: {  	_ = 	snop  }
0x5: {  	_ = 	snop  }
0x6: {  	_ = 	snop  }
0x7: {  	_ = 	snop  }
__scs_overlays_trampoline_lowered:
0x8: {  	[smem:$0x3FAB] =	sst s0  }
0x9: {  	[smem:$0x3FAC] =	sst s1  }
0xa: {  	[smem:$0x3FAD] =	sst s2  }
0xb: {  	[smem:$0x3FAE] =	sst s3  }
0xc: {  	[smem:$0x3FAF] =	sst s4  }
0xd: {  	[smem:$0x3FB0] =	sst s5  }
0xe: {  	[smem:$0x3FB1] =	sst s6  }
0xf: {  	[smem:$0x3FB2] =	sst s7  }
0x10: {  	[smem:$0x3FB3] =	sst s8  }
0x11: {  	[smem:$0x3FB4] =	sst s9;
	s0 =	simm.s32 @!p0 $0x0  }
0x12: {  	s1 =	sld [smem:$0x3F9A];
	s0 =	simm.s32 @p0 $0x1  }
0x13: {  	[smem:$0x3FB5] =	sst s0;
	s0 =	simm.s32 @!p1 $0x0  }
0x14: {  	s2 =	sld [smem:$0x3F99];
	s0 =	simm.s32 @p1 $0x1  }
0x15: {  	[smem:$0x3FB6] =	sst s0;
	s0 =	simm.s32 @!p2 $0x0  }
0x16: {  	s3 =	sld [smem:$0x3FDB];
	s0 =	simm.s32 @p2 $0x1  }
0x17: {  	s4 =	simm.s32 $0x1BF5;
	[smem:$0x3FB8] =	sst s0  }
0x18: {  	s0 =	sld [smem:$0x3F9B];
	_ =	swait.ge [sflag:s4], $0x0  }
0x19: {  	s7 =	sld [smem:$0x3F9C]  }
0x1a: {  	s8 =	sadd.s32 $0xFFFFE003, lr  }
0x1b: {  	s9 =	sadd.s32 $0xFFFFFEF7, lr;
	s5 =	simm.s32 $0xFFFFFFFF;
	p2 =	slt.u32 s8, $0xFFFFF086  }
0x1c: {  	p1 =	slt.u32 s9, $0xF7A;
	s5 =	simm.s32 @!p2 $0x0  }
0x1d: {  	s5 =	simm.s32 @p1 $0x1;
	p0 =	seq.s32 s7, s2  }
0x1e: {  	s7 =	smul.u32 @!p0 $0xF7A, s2;
	p2 =	seq.s32 @!p0 s5, $0x0  }
0x1f: {  	s9 =	smul.u32 $0xF7A, s1;
	s8 =	simm.s32 @!p0 $0x1BF5;
	p2 =	por !p2, p0  }
0x20: {  	[sflag:s8] =	ssyncset.s32 @!p0 $0xFFFFF086;
	s6 =	sadd.s32 @!p0 s3, s7;
	s7 =	simm.s32 @!p0 $0x108  }
0x21: {  	s3 =	sadd.s32 s3, s9;
	s6 =	sadd.s32 @!p0 $0x88, s6;
	s7 =	simm.s32 @p2 $0x1082  }
0x22: {  	[simem:s7], [sflag:s8] =	dma.local @!p0 [hbm:s6], $0xF7A  }
0x23: {  	s9 =	sor.u32 $0xD0000000, s2;
	s6 =	simm.s32 $0x108;
	_ =	swait.ge @!p0 [sflag:s8], $0x0  }
0x24: {  	s3 =	sadd.s32 $0x88, s3;
	s6 =	simm.s32 @!p1 $0x1082;
	[sflag:s4] =	ssyncset.s32 $0xFFFFF086  }
0x25: {  	[simem:s6], [sflag:s4] =	dma.local [hbm:s3], $0xF7A  }
0x26: {  	[smem:$0x3F9C] =	sst s1;
	(tag) =	ssettag s2;
	_ =	strace s9  }
0x27: {  	s1 =	sld [smem:$0x3FAC]  }
0x28: {  	s2 =	sld [smem:$0x3FAD]  }
0x29: {  	s4 =	sld [smem:$0x3FAF]  }
0x2a: {  	p0 =	seq.s32 s5, $0x0;
	s5 =	sld [smem:$0x3FB0]  }
0x2b: {  	s6 =	sld [smem:$0x3FB1]  }
0x2c: {  	s7 =	sld [smem:$0x3FB2]  }
0x2d: {  	s3 =	simm.s32 $0x108;
	s8 =	sld [smem:$0x3FB3]  }
0x2e: {  	s3 =	simm.s32 @!p0 $0x1082;
	s9 =	sld [smem:$0x3FB4]  }
0x2f: {  	lr =	sadd.s32 s0, s3;
	s0 =	sld [smem:$0x3FAB]  }
0x30: {  	s3 =	sld [smem:$0x3FAE]  }
0x31: {  	[smem:$0x3FB7] =	sst s10  }
0x32: {  	s10 =	sld [smem:$0x3FB5];
	_ =	sdelay $0x3  }
0x33: {  	p0 =	seq.s32 s10, $0x1;
	s10 =	sld [smem:$0x3FB7];
	_ =	sdelay $0x3  }
0x34: {  	[smem:$0x3FB7] =	sst s10  }
0x35: {  	s10 =	sld [smem:$0x3FB6];
	_ =	sdelay $0x3  }
0x36: {  	p1 =	seq.s32 s10, $0x1;
	s10 =	sld [smem:$0x3FB7];
	_ =	sdelay $0x3  }
0x37: {  	[smem:$0x3FB7] =	sst s10  }
0x38: {  	s10 =	sld [smem:$0x3FB8]  }
0x39: {  	_ = 	snop;
	(pc) =	sbr.ind lr, $3  }
0x3a: {  	_ = 	snop  }
0x3b: {  	_ = 	snop  }
0x3c: {  	p2 =	seq.s32 s10, $0x1;
	s10 =	sld [smem:$0x3FB7]  }
0x3d: {  	_ =	shalt  }
0x3e: {  	_ =	shalt  }
0x3f: {  	_ =	shalt  }
0x40: {  	_ =	shalt  }
0x41: {  	_ =	shalt  }
0x42: {  	_ =	shalt  }
0x43: {  	_ =	shalt  }
0x44: {  	_ =	shalt  }
0x45: {  	_ =	shalt  }
0x46: {  	_ =	shalt  }
0x47: {  	_ =	shalt  }
0x48: {  	_ =	shalt  }
0x49: {  	_ =	shalt  }
0x4a: {  	_ =	shalt  }
0x4b: {  	_ =	shalt  }
0x4c: {  	_ =	shalt  }
0x4d: {  	_ =	shalt  }
0x4e: {  	_ =	shalt  }
0x4f: {  	_ =	shalt  }
0x50: {  	_ =	shalt  }
0x51: {  	_ =	shalt  }
0x52: {  	_ =	shalt  }
0x53: {  	_ =	shalt  }
0x54: {  	_ =	shalt  }
0x55: {  	_ =	shalt  }
0x56: {  	_ =	shalt  }
0x57: {  	_ =	shalt  }
0x58: {  	_ =	shalt  }
0x59: {  	_ =	shalt  }
0x5a: {  	_ =	shalt  }
0x5b: {  	_ =	shalt  }
0x5c: {  	_ =	shalt  }
0x5d: {  	_ =	shalt  }
0x5e: {  	_ =	shalt  }
0x5f: {  	_ =	shalt  }
0x60: {  	_ =	shalt  }
0x61: {  	_ =	shalt  }
0x62: {  	_ =	shalt  }
0x63: {  	_ =	shalt  }
0x64: {  	_ =	shalt  }
0x65: {  	_ =	shalt  }
0x66: {  	_ =	shalt  }
0x67: {  	_ =	shalt  }
0x68: {  	_ =	shalt  }
0x69: {  	_ =	shalt  }
0x6a: {  	_ =	shalt  }
0x6b: {  	_ =	shalt  }
0x6c: {  	_ =	shalt  }
0x6d: {  	_ =	shalt  }
0x6e: {  	_ =	shalt  }
0x6f: {  	_ =	shalt  }
0x70: {  	_ =	shalt  }
0x71: {  	_ =	shalt  }
0x72: {  	_ =	shalt  }
0x73: {  	_ =	shalt  }
0x74: {  	_ =	shalt  }
0x75: {  	_ =	shalt  }
0x76: {  	_ =	shalt  }
0x77: {  	_ =	shalt  }
0x78: {  	_ =	shalt  }
0x79: {  	_ =	shalt  }
0x7a: {  	_ =	shalt  }
0x7b: {  	_ =	shalt  }
0x7c: {  	_ =	shalt  }
0x7d: {  	_ =	shalt  }
0x7e: {  	_ =	shalt  }
0x7f: {  	_ =	shalt  }
0x80: {  	_ =	shalt  }
0x81: {  	_ =	shalt  }
0x82: {  	_ =	shalt  }
0x83: {  	_ =	shalt  }
0x84: {  	_ =	shalt  }
0x85: {  	_ =	shalt  }
0x86: {  	_ =	shalt  }
0x87: {  	_ =	shalt  }
.Lfunc_end0:
.L_simem_size_0:
called_computation_lowered:
.L_overlay_start_0:
0x88: {  	s2 =	sld [smem:$0x3FD9]  }
0x89: {  	s3 =	sld [smem:$0x3FFE];
	_ =	sdelay $0x1  }
0x8a: {  	s1 =	srdreg.scid  }
0x8b: {  	s0 =	sand.u32 $0x1, s1  }
0x8c: {  	s17 =	sshll.u32 s0, $0xA;
	s2 =	sadd.s32 s3, s2  }
0x8d: {  	s2 =	sadd.s32 s2, s17  }
0x8e: {  	[smem:$0x3FC3] =	sst s2  }
0x8f: {  	_ = 	snop  }
0x90: {  	s2 =	sld [smem:$0x3FC9]  }
0x91: {  	s18 =	sld [smem:$0x3FC8]  }
0x92: {  	s4 =	sld [smem:$0x3FC7]  }
0x93: {  	s5 =	sld [smem:$0x3FC6]  }
0x94: {  	s6 =	sld [smem:$0x3FC5];
	(tm) =	ssettm $0x1  }
0x95: {  	s7 =	sld [smem:$0x3FFB];
	_ =	sdelay $0x3  }
0x96: {  	_ =	strace s7  }
0x97: {  	s7 =	sld [smem:$0x3FFC];
	_ =	sdelay $0x3  }
0x98: {  	_ =	strace s7  }
0x99: {  	s7 =	sld [smem:$0x3FFD];
	_ =	sdelay $0x3  }
0x9a: {  	_ =	strace s7  }
0x9b: {  	_ =	strace $0x8FFFFFFF  }
0x9c: {  	s19 =	sld [smem:$0x3FDB];
	_ =	sdelay $0x1  }
0x9d: {  	s8 =	simm.s32 $_scs_section_size  }
0x9e: {  	s9 =	simm.s32 $_size__tile_overlayer_lowered;
	s10 =	simm.s32 $_tile_overlayer_lowered  }
0x9f: {  	s22 =	simm.s32 $0x1BFF;
	s21 =	sshll.u32 s10, $0x1;
	s7 =	sadd.s32 s8, s19  }
0xa0: {  	s11 =	simm.s32 $0x0;
	s20 =	sshll.u32 s9, $0x1;
	s9 =	sadd.s32 s21, s7  }
0xa1: {  	[timem:s11], [sflag:s22] =	dma.local [hbm:s9], s20  }
0xa2: {  	_ =	swait.ge [sflag:s22], s20  }
0xa3: {  	s8 =	ssub.s32 $0x0, s20;
	[sflag:s22] =	ssyncset.done $0x0  }
0xa4: {  	[sflag:s22] =	ssyncadd.s32 s8;
	_ =	sdelay $0x1  }
0xa5: {  	s23 =	simm.s32 $0x1B8B  }
0xa6: {  	_ =	swait.ge [sflag:s23], $0x1  }
0xa7: {  	[sflag:s23] =	ssyncset.done $0x0  }
0xa8: {  	s25 =	simm.s32 $0x1B8E;
	s24 =	sld [smem:$0x3FFE];
	[sflag:s23] =	ssyncadd.s32 $0xFFFFFFFF  }
0xa9: {  	s26 =	simm.s32 $execute0_lowered;
	[smem:$0x3FD2] =	sst s25  }
0xaa: {  	s9 =	sshll.u32 s26, $0x1;
	_ =	strace $0x80000046;
	[dreg:$0x1] =	wrdreg $0xFFFFFFFF  }
0xab: {  	s28 =	simm.s32 $_size_execute0_lowered;
	s7 =	sadd.s32 s7, s9;
	[dreg:$0x0] =	wrdreg $0x0  }
0xac: {  	s9 =	sshll.u32 s28, $0x1;
	[dreg:$0x2] =	wrdreg s7  }
0xad: {  	[dreg:$0x3] =	wrdreg s9  }
0xae: {  	[dreg:$0x4] =	wrdreg $0xC0  }
0xaf: {  	_ =	task [dreg:s11], $0x5FFFF  }
0xb0: {  	[dreg:$0x1] =	wrdreg $0xFFFFFFFF  }
0xb1: {  	[dreg:$0x0] =	wrdreg $0x60  }
0xb2: {  	[dreg:$0x2] =	wrdreg s2  }
0xb3: {  	[dreg:$0x3] =	wrdreg s18  }
0xb4: {  	[dreg:$0x4] =	wrdreg s4  }
0xb5: {  	[dreg:$0x5] =	wrdreg s5  }
0xb6: {  	[dreg:$0x6] =	wrdreg s6  }
0xb7: {  	[dreg:$0x7] =	wrdreg s24  }
0xb8: {  	[dreg:$0x8] =	wrdreg $0x110000  }
0xb9: {  	[dreg:$0x9] =	wrdreg $0x9  }
0xba: {  	_ =	task.clear_ibuf [dreg:s11], $0xAFFFF;
	_ =	strace $0x90000046  }
0xbb: {  	s29 =	simm.s32 $0x9;
	_ =	strace $0x80000048  }
0xbc: {  	_ =	swait.ge [sflag:s29], $0x1  }
0xbd: {  	[sflag:s29] =	ssyncadd.s32 $0xFFFFFFFF  }
0xbe: {  	_ =	strace $0x90000048  }
0xbf: {  	_ =	sfence  }
0xc0: {  	s30 =	sld [smem:$0x0];
	_ =	sdelay $0x2  }
0xc1: {  	s31 =	sshll.u32 s1, $0xD;
	s1 =	sshrl.u32 s1, $0x2  }
0xc2: {  	s3 =	sand.u32 $0x4000, s31;
	s1 =	sadd.s32 s1, s30  }
0xc3: {  	s0 =	sor.u32 s3, s0;
	s1 =	sshll.u32 s1, $0x11  }
0xc4: {  	s0 =	sor.u32 s1, s0  }
0xc5: {  	s0 =	sadd.s32 $0x8F2B, s0  }
0xc6: {  	[sflag:s0] =	ssyncadd.remote.s32 $0x1  }
0xc7: {  	_ =	sfence.sel $0xFFFF  }
0xc8: {  	[dreg:$0x0] =	wrdreg $0xFFFFFFFF;
	(pc) =	sbr.abs _section_cstart, $3  }
0xc9: {  	[dreg:$0x1] =	wrdreg $0xFFFFFFFF  }
0xca: {  	_ =	task.clear_ibuf [dreg:s11], $0x2FFFF;
	_ =	strace $0x9FFFFFFF  }
0xcb: {  	(tm) =	ssettm $0x7FFFFFFF  }
tec
execute0_lowered:
.L_overlay_start_1:
0x0: {  	(tag) =	ssettag $0x1  }
0x1: {  	s0 =	rddreg [dreg:$0x0]  }
0x2: {  	s1 =	rddreg [dreg:$0x1]  }
0x3: {  	s3 =	rddreg [dreg:$0x4]  }
0x4: {  	s4 =	rddreg [dreg:$0x5]  }
0x5: {  	s2 =	rddreg [dreg:$0x6];
	s5 =	simm.s32 $0x0  }
0x6: {  	s6 =	srdreg.scid;
	s12 =	stileid.u32;
	s13 =	simm.s32 $0x80  }
0x7: {  	s14 =	simm.s32 $0x400;
	s15 =	simm.s32 $0x7A1400;
	s16 =	simm.s32 $0x180  }
0x8: {  	s17 =	simm.s32 $0x3180;
	s18 =	simm.s32 $0x3580;
	s19 =	simm.s32 $0x6580  }
0x9: {  	s20 =	simm.s32 $0x6980;
	s21 =	simm.s32 $0x9980;
	s22 =	simm.s32 $0x9D80  }
0xa: {  	s23 =	simm.s32 $0xCD80;
	s24 =	simm.s32 $0x1;
	s25 =	simm.s32 $0x2  }
0xb: {  	s26 =	simm.s32 $0x3;
	s28 =	simm.s32 $0x4;
	s29 =	simm.s32 $0x10580  }
0xc: {  	[smem:$0x7FF] =	sst s5;
	s6 =	sand.u32 $0x1, s6;
	s31 =	sshll.u32 s12, $0x7  }
0xd: {  	_ =	strace $0x80000047;
	s7 =	sshll.u32 s6, $0x6;
	s8 =	ssub.s32 $0x2, s6  }
0xe: {  	vm0 =	vmmov $0x1;
	v1 =	vlaneseq.u32;
	s9 =	sshll.u32 s6, $0x4;
	p0 =	seq.s32 s6, $0x0;
	s6 =	simm.s32 $0xD180  }
.Ltmp0:
0xf: {  	vm1 =	vcmask $0x308;
	vm2 =	vcmask $0x70C;
	v1 =	vmul.u32 $0x80, v1;
	s30 =	sshrl.u32 s8, $0x1;
	s9 =	sor.u32 s12, s9;
	(pc) =	sbr.rel .LBB2_1-.Ltmp0, $4  }
0x10: {  	vm3 =	vcmask $0xB10;
	vm4 =	vcmask $0xF14;
	vm5 =	vcmask $0x1318;
	s4 =	sadd.s32 s7, s4;
	s11 =	ssub.s32 s8, s30;
	s7 =	sadd.s32 s0, s9  }
0x11: {  	vm6 =	vcmask $0x171C;
	vm7 =	vcmask $0x1B20;
	v2 =	vor.u32 $0x800, v1;
	s8 =	sadd.s32 s1, s9;
	s1 =	simm.f32 $1.000000000e+00;
	s9 =	sadd.s32 s31, s2  }
0x12: {  	v3 =	vor.u32 $0x1000, v1;
	v4 =	vor.u32 $0x1800, v1;
	v5 =	vor.u32 $0x2000, v1;
	s10 =	sadd.s32 $0x400, s4;
	s0 =	simm.s32 $0x5;
	s1 =	simm.s32 @!p0 $0x0  }
0x13: {  	v6 =	vor.u32 $0x2800, v1;
	v7 =	vadd.s32 $0x2A00, v1;
	s11 =	smax.u32 s11, $0x1;
	p0 =	sne.s32 s12, $0xF;
	s12 =	simm.s32 $0x6;
	v0 =	vmov s1  }
.LBB2_3:
0x14: {  	s11 =	sadd.s32 $0xFFFFFFFF, s11  }
0x15: {  	p1 =	sne.s32 s11, $0x0  }
.Ltmp1:
0x16: {  	_ = 	snop;
	(pc) =	sbr.rel @!p1 .LBB2_4-.Ltmp1, $1  }
0x17: {  	_ =	sdelay $0x3  }
.LBB2_1:
0x18: {  	[tilespmem:s5], [sflag:$0x6] =	stream.linear.gather [hbm4b:s7+s5], $0x10, $0x38;
	[tilespmem:$0x11080] =	vst v63  }
0x19: {  	_ =	swait.ge [sflag:s12], $0x10  }
0x1a: {  	[sflag:s12] =	ssyncset.done $0x0  }
0x1b: {  	[sflag:s12] =	ssyncadd.s32 $0xFFFFFFF0  }
0x1c: {  	[tilespmem:s13], [sflag:$0x6] =	stream.linear.gather [hbm4b:s8+s5], $0x10, $0x38;
	[tilespmem:$0x11080] =	vst v63  }
0x1d: {  	_ =	swait.ge [sflag:s12], $0x10  }
0x1e: {  	[sflag:s12] =	ssyncset.done $0x0  }
0x1f: {  	[sflag:s12] =	ssyncadd.s32 $0xFFFFFFF0  }
0x20: {  	v8 =	vld [tilespmem:$0x0];
	_ =	sdelay $0x4  }
0x21: {  	v9 =	vand.u32 $0xFFFFFF80, v8  }
0x22: {  	v10 =	vnsel vm0, $0x0, v9  }
0x23: {  	(xrf0) =	vadd.scan.msk.s32 $0xffff, v10;
	_ =	sdelay $0x5  }
0x24: {  	v10, _, _ =	vpop (xrf0)  }
0x25: {  	(v2sf) =	vpush v10, $0xF;
	v10 =	vsel vm1, $0x0, v9  }
0x26: {  	(xrf0) =	vadd.scan.msk.s32 $0xffff, v10  }
0x27: {  	v11 =	vsel vm2, $0x0, v9  }
0x28: {  	(xrf0) =	vadd.scan.msk.s32 $0xffff, v11;
	v11 =	vsel vm3, $0x0, v9  }
0x29: {  	(xrf0) =	vadd.scan.msk.s32 $0xffff, v11;
	v11 =	vsel vm4, $0x0, v9  }
0x2a: {  	(xrf0) =	vadd.scan.msk.s32 $0xffff, v11;
	v11 =	vsel vm5, $0x0, v9  }
0x2b: {  	(xrf0) =	vadd.scan.msk.s32 $0xffff, v11;
	v11 =	vsel vm6, $0x0, v9  }
0x2c: {  	v8 =	vand.u32 $0x7F, v8;
	v9 =	vsel vm7, $0x0, v9;
	(xrf0) =	vadd.scan.msk.s32 $0xffff, v11;
	v12, _, _ =	vpop (xrf0)  }
0x2d: {  	(xrf0) =	vadd.scan.msk.s32 $0xffff, v9;
	v9 =	vnsel vm0, $0x0, v8;
	(v2sf) =	vpush v12, $0xF  }
0x2e: {  	(xrf0) =	vadd.scan.msk.s32 $0xffff, v9;
	v9 =	vsel vm1, $0x0, v8  }
0x2f: {  	v10 =	vld [tilespmem:$0x80];
	v11, _, _ =	vpop (xrf0);
	(xrf0) =	vadd.scan.msk.s32 $0xffff, v9;
	v9 =	vsel vm2, $0x0, v8  }
0x30: {  	(v2sf) =	vpush v11, $0xF;
	v11, _, _ =	vpop (xrf0);
	(xrf0) =	vadd.scan.msk.s32 $0xffff, v9;
	v9 =	vsel vm3, $0x0, v8  }
0x31: {  	v12, _, _ =	vpop (xrf0);
	(xrf0) =	vadd.scan.msk.s32 $0xffff, v9;
	v9 =	vsel vm4, $0x0, v8  }
0x32: {  	(xrf0) =	vadd.scan.msk.s32 $0xffff, v9;
	v9 =	vsel vm5, $0x0, v8  }
0x33: {  	v13, _, _ =	vpop (xrf0);
	(xrf0) =	vadd.scan.msk.s32 $0xffff, v9;
	v9 =	vsel vm6, $0x0, v8  }
0x34: {  	v14, _, _ =	vpop (xrf0);
	(xrf0) =	vadd.scan.msk.s32 $0xffff, v9;
	v9 =	vnsel vm0, $0x0, v10;
	s4 =	spop (v2sf)  }
0x35: {  	s31 =	simm.s32 @!p0 $0x400;
	s1 =	rddreg [dreg:$0x3];
	(xrf2) =	vadd.scan.msk.f32 $0xffff, v9;
	v9 =	vsel vm1, $0x0, v10;
	s4 =	sand.u32 $0xFFFFF80, s4  }
0x36: {  	s2 =	simm.s32 @!p0 $0xD180;
	(v2sf) =	vpush v11, $0xF;
	(xrf2) =	vadd.scan.msk.f32 $0xffff, v9;
	s30 =	sadd.s32 @!p0 s1, s4;
	s1 =	simm.s32 @!p0 $0x7A1400  }
0x37: {  	v9 =	vsel vm2, $0x0, v10;
	[tilespmem:s2], [sflag:$0x5] =	stream.strided.gather @!p0 [hbm4b:s30+s31], $0x3000, s1, s31, $0x38;
	[tilespmem:$0x11080] =	vst v63  }
0x38: {  	(v2sf) =	vpush v12, $0xF;
	(xrf2) =	vadd.scan.msk.f32 $0xffff, v9;
	s1 =	sadd.s32 @!p0 $0xB71E00, s30;
	s2 =	simm.s32 @!p0 $0x0;
	s30 =	simm.s32 @!p0 $0x10180  }
0x39: {  	(v2sf) =	vpush v13, $0xF;
	v9 =	vsel vm3, $0x0, v10;
	[tilespmem:s30], [sflag:$0x5] =	stream.linear.gather @!p0 [hbm4b:s1+s2], $0x200, $0x38;
	[tilespmem:$0x11080] =	vst v63  }
0x3a: {  	(xrf2) =	vadd.scan.msk.f32 $0xffff, v9;
	s30 =	sadd.s32 s3, s4  }
0x3b: {  	v11 =	vsel vm4, $0x0, v10;
	(v2sf) =	vpush v14, $0xF;
	[tilespmem:s16], [sflag:$0x1] =	stream.strided.gather [hbm4b:s30+s14], $0x3000, s15, s14, $0x38;
	[tilespmem:$0x11080] =	vst v63  }
0x3c: {  	(xrf2) =	vadd.scan.msk.f32 $0xffff, v11;
	v9, _, _ =	vpop (xrf0);
	s1 =	sadd.s32 $0xB71E00, s30;
	s31 =	spop (v2sf)  }
0x3d: {  	v12, _, _ =	vpop (xrf0);
	(v2sf) =	vpush v9, $0xF;
	v9 =	vsel vm5, $0x0, v10;
	[tilespmem:s17], [sflag:$0x1] =	stream.linear.gather [hbm4b:s1+s5], $0x200, $0x38;
	[tilespmem:$0x11080] =	vst v63  }
0x3e: {  	v24, _, _ =	vpop (xrf0);
	s2 =	sand.u32 $0xFFFFF80, s31;
	(xrf2) =	vadd.scan.msk.f32 $0xffff, v9;
	v9 =	vsel vm6, $0x0, v10  }
0x3f: {  	v27, _, _ =	vpop (xrf0);
	s4 =	spop (v2sf);
	s1 =	sadd.s32 s3, s2;
	(xrf2) =	vadd.scan.msk.f32 $0xffff, v9  }
0x40: {  	v28, _, _ =	vpop (xrf0);
	v9 =	vsel vm7, $0x0, v10;
	[tilespmem:s18], [sflag:$0x2] =	stream.strided.gather [hbm4b:s1+s14], $0x3000, s15, s14, $0x38;
	[tilespmem:$0x11080] =	vst v63  }
0x41: {  	v26, _, _ =	vpop (xrf0);
	s30 =	sand.u32 $0xFFFFF80, s4;
	s1 =	sadd.s32 $0xB71E00, s1;
	(xrf2) =	vadd.scan.msk.f32 $0xffff, v9  }
0x42: {  	v8 =	vsel vm7, $0x0, v8;
	v21, _, _ =	vpop (xrf0);
	[tilespmem:s19], [sflag:$0x2] =	stream.linear.gather [hbm4b:s1+s5], $0x200, $0x38;
	[tilespmem:$0x11080] =	vst v63  }
0x43: {  	v20, _, _ =	vpop (xrf0);
	(xrf0) =	vadd.scan.msk.s32 $0xffff, v8;
	s1 =	sadd.s32 s3, s30  }
0x44: {  	v29, _, _ =	vpop (xrf2);
	[tilespmem:s20], [sflag:$0x3] =	stream.strided.gather [hbm4b:s1+s14], $0x3000, s15, s14, $0x38;
	[tilespmem:$0x11080] =	vst v63  }
0x45: {  	s31 =	spop (v2sf);
	v30, _, _ =	vpop (xrf2);
	s1 =	sadd.s32 $0xB71E00, s1  }
0x46: {  	v31, _, _ =	vpop (xrf2);
	[tilespmem:s21], [sflag:$0x3] =	stream.linear.gather [hbm4b:s1+s5], $0x200, $0x38;
	[tilespmem:$0x11080] =	vst v63  }
0x47: {  	s2 =	sand.u32 $0xFFFFF80, s31;
	v32, _, _ =	vpop (xrf2);
	s1 =	spop (v2sf)  }
0x48: {  	s2 =	sadd.s32 s3, s2;
	v19, _, _ =	vpop (xrf2);
	s31 =	spop (v2sf)  }
0x49: {  	v8 =	vbroadcast v12, $0xF;
	v18, _, _ =	vpop (xrf0);
	[tilespmem:s22], [sflag:$0x4] =	stream.strided.gather [hbm4b:s2+s14], $0x3000, s15, s14, $0x38;
	[tilespmem:$0x11080] =	vst v63  }
0x4a: {  	v17, _, _ =	vpop (xrf2);
	s30 =	spop (v2sf);
	s2 =	sadd.s32 $0xB71E00, s2  }
0x4b: {  	v14 =	vadd.s32 v1, v8;
	v16, _, _ =	vpop (xrf2);
	[tilespmem:s23], [sflag:$0x4] =	stream.linear.gather [hbm4b:s2+s5], $0x200, $0x38;
	[tilespmem:$0x11080] =	vst v63  }
0x4c: {  	v13 =	vadd.s32 v2, v8;
	v15, _, _ =	vpop (xrf2);
	s4 =	spop (v2sf)  }
0x4d: {  	v12 =	vadd.s32 v3, v8;
	_ =	swait.ge [sflag:s24], $0x3200  }
0x4e: {  	v11 =	vadd.s32 v4, v8;
	[sflag:s24] =	ssyncset.done $0x0  }
0x4f: {  	v10 =	vadd.s32 v5, v8;
	[sflag:s24] =	ssyncadd.s32 $0xFFFFCE00  }
0x50: {  	v9 =	vadd.s32 v6, v8;
	v23 =	vld.idx.msk [tilespmem:v14+s16+$0x0], $0xffff  }
0x51: {  	v8 =	vadd.s32 v7, v8;
	v22 =	vld.idx.msk [tilespmem:v13+s16+$0x0], $0xffff  }
0x52: {  	v33 =	vld.idx.msk [tilespmem:v12+s16+$0x0], $0xffff  }
0x53: {  	v34 =	vld.idx.msk [tilespmem:v11+s16+$0x0], $0xffff  }
0x54: {  	s1 =	sand.u32 $0xFFFFF80, s1;
	v35 =	vld.idx.msk [tilespmem:v10+s16+$0x0], $0xffff  }
0x55: {  	v38 =	vbroadcast v24, $0xF;
	s1 =	sadd.s32 s3, s1;
	v36 =	vld.idx.msk [tilespmem:v9+s16+$0x0], $0xffff  }
0x56: {  	v37 =	vld.idx.msk [tilespmem:v8+s16+$0x0], $0xffff;
	[tilespmem:s16], [sflag:$0x1] =	stream.strided.gather [hbm4b:s1+s14], $0x3000, s15, s14, $0x38  }
0x57: {  	v24 =	vadd.s32 v1, v38;
	s1 =	sadd.s32 $0xB71E00, s1  }
0x58: {  	v39 =	vadd.s32 v2, v38;
	[tilespmem:s17], [sflag:$0x1] =	stream.linear.gather [hbm4b:s1+s5], $0x200, $0x38;
	[tilespmem:$0x11080] =	vst v63  }
0x59: {  	v40 =	vadd.s32 v3, v38;
	_ =	swait.ge [sflag:s25], $0x3200  }
0x5a: {  	v41 =	vadd.s32 v4, v38;
	[sflag:s25] =	ssyncset.done $0x0  }
0x5b: {  	v42 =	vadd.s32 v5, v38;
	[sflag:s25] =	ssyncadd.s32 $0xFFFFCE00  }
0x5c: {  	v43 =	vadd.s32 v6, v38;
	v25 =	vld.idx.msk [tilespmem:v24+s18+$0x0], $0xffff  }
0x5d: {  	v38 =	vadd.s32 v7, v38;
	v24 =	vld.idx.msk [tilespmem:v39+s18+$0x0], $0xffff  }
0x5e: {  	v39 =	vld.idx.msk [tilespmem:v40+s18+$0x0], $0xffff  }
0x5f: {  	v40 =	vld.idx.msk [tilespmem:v41+s18+$0x0], $0xffff  }
0x60: {  	s2 =	sand.u32 $0xFFFFF80, s31;
	v62 =	vld.idx.msk [tilespmem:v42+s18+$0x0], $0xffff  }
0x61: {  	v27 =	vbroadcast v27, $0xF;
	s1 =	sadd.s32 s3, s2;
	v63 =	vld.idx.msk [tilespmem:v43+s18+$0x0], $0xffff  }
0x62: {  	v38 =	vld.idx.msk [tilespmem:v38+s18+$0x0], $0xffff;
	[tilespmem:s18], [sflag:$0x2] =	stream.strided.gather [hbm4b:s1+s14], $0x3000, s15, s14, $0x38  }
0x63: {  	v55 =	vadd.s32 v1, v27;
	s1 =	sadd.s32 $0xB71E00, s1  }
0x64: {  	v44 =	vadd.s32 v2, v27;
	[tilespmem:s19], [sflag:$0x2] =	stream.linear.gather [hbm4b:s1+s5], $0x200, $0x38;
	[tilespmem:$0x11080] =	vst v63  }
0x65: {  	v45 =	vadd.s32 v3, v27;
	_ =	swait.ge [sflag:s26], $0x3200  }
0x66: {  	v46 =	vadd.s32 v4, v27;
	[sflag:s26] =	ssyncset.done $0x0  }
0x67: {  	v47 =	vadd.s32 v5, v27;
	[sflag:s26] =	ssyncadd.s32 $0xFFFFCE00  }
0x68: {  	v48 =	vadd.s32 v6, v27;
	v43 =	vld.idx.msk [tilespmem:v55+s20+$0x0], $0xffff  }
0x69: {  	v27 =	vadd.s32 v7, v27;
	v44 =	vld.idx.msk [tilespmem:v44+s20+$0x0], $0xffff  }
0x6a: {  	v45 =	vld.idx.msk [tilespmem:v45+s20+$0x0], $0xffff  }
0x6b: {  	v46 =	vld.idx.msk [tilespmem:v46+s20+$0x0], $0xffff  }
0x6c: {  	s30 =	sand.u32 $0xFFFFF80, s30;
	v47 =	vld.idx.msk [tilespmem:v47+s20+$0x0], $0xffff  }
0x6d: {  	v28 =	vbroadcast v28, $0xF;
	s1 =	sadd.s32 s3, s30;
	v48 =	vld.idx.msk [tilespmem:v48+s20+$0x0], $0xffff  }
0x6e: {  	v27 =	vld.idx.msk [tilespmem:v27+s20+$0x0], $0xffff;
	[tilespmem:s20], [sflag:$0x3] =	stream.strided.gather [hbm4b:s1+s14], $0x3000, s15, s14, $0x38  }
0x6f: {  	v49 =	vadd.s32 v1, v28;
	s1 =	sadd.s32 $0xB71E00, s1  }
0x70: {  	v50 =	vadd.s32 v2, v28;
	[tilespmem:s21], [sflag:$0x3] =	stream.linear.gather [hbm4b:s1+s5], $0x200, $0x38;
	[tilespmem:$0x11080] =	vst v63  }
0x71: {  	v51 =	vadd.s32 v7, v28;
	_ =	swait.ge [sflag:s28], $0x3200  }
0x72: {  	v52 =	vadd.s32 v3, v28;
	[sflag:s28] =	ssyncset.done $0x0  }
0x73: {  	v29 =	vbroadcast v29, $0xF;
	v53 =	vadd.s32 v4, v28;
	[sflag:s28] =	ssyncadd.s32 $0xFFFFCE00  }
0x74: {  	v26 =	vbroadcast v26, $0xF;
	v54 =	vadd.s32 v5, v28;
	v30 =	vbroadcast v30, $0xF;
	v49 =	vld.idx.msk [tilespmem:v49+s22+$0x0], $0xffff  }
0x75: {  	v28 =	vadd.s32 v6, v28;
	v21 =	vbroadcast v21, $0xF;
	v31 =	vbroadcast v31, $0xF;
	v50 =	vld.idx.msk [tilespmem:v50+s22+$0x0], $0xffff  }
0x76: {  	v20 =	vbroadcast v20, $0xF;
	v32 =	vbroadcast v32, $0xF;
	v51 =	vld.idx.msk [tilespmem:v51+s22+$0x0], $0xffff  }
0x77: {  	v19 =	vbroadcast v19, $0xF;
	v18 =	vbroadcast v18, $0xF;
	v52 =	vld.idx.msk [tilespmem:v52+s22+$0x0], $0xffff  }
0x78: {  	v57 =	vadd.s32 v1, v26;
	v17 =	vbroadcast v17, $0xF;
	v16 =	vbroadcast v16, $0xF;
	s31 =	sand.u32 $0xFFFFF80, s4;
	v53 =	vld.idx.msk [tilespmem:v53+s22+$0x0], $0xffff  }
0x79: {  	v58 =	vadd.s32 v2, v26;
	v15 =	vbroadcast v15, $0xF;
	v37 =	vmul.f32 v37, v29;
	s1 =	sadd.s32 s3, s31;
	v54 =	vld.idx.msk [tilespmem:v54+s22+$0x0], $0xffff  }
0x7a: {  	v59 =	vadd.s32 v3, v26;
	v36 =	vmul.f32 v36, v29;
	v35 =	vmul.f32 v35, v29;
	v28 =	vld.idx.msk [tilespmem:v28+s22+$0x0], $0xffff;
	[tilespmem:s22], [sflag:$0x4] =	stream.strided.gather [hbm4b:s1+s14], $0x3000, s15, s14, $0x38  }
0x7b: {  	v61 =	vadd.s32 v5, v26;
	v34 =	vmul.f32 v34, v29;
	v33 =	vmul.f32 v33, v29;
	s1 =	sadd.s32 $0xB71E00, s1  }
0x7c: {  	v23 =	vmul.f32 v23, v29;
	v22 =	vmul.f32 v22, v29;
	v37 =	vadd.f32 $0.0e+00, v37;
	[tilespmem:s23], [sflag:$0x4] =	stream.linear.gather [hbm4b:s1+s5], $0x200, $0x38;
	[tilespmem:$0x11080] =	vst v63  }
0x7d: {  	v36 =	vadd.f32 $0.0e+00, v36;
	v35 =	vadd.f32 $0.0e+00, v35;
	v38 =	vmul.f32 v38, v30;
	_ =	swait.ge [sflag:s24], $0x3200  }
0x7e: {  	v34 =	vadd.f32 $0.0e+00, v34;
	v42 =	vmul.f32 v63, v30;
	v55 =	vadd.s32 v4, v26;
	[sflag:s24] =	ssyncset.done $0x0  }
0x7f: {  	v63 =	vadd.s32 v6, v26;
	v37 =	vadd.f32 v38, v37;
	v27 =	vmul.f32 v27, v31;
	[sflag:s24] =	ssyncadd.s32 $0xFFFFCE00  }
0x80: {  	v33 =	vadd.f32 $0.0e+00, v33;
	v23 =	vadd.f32 $0.0e+00, v23;
	v26 =	vadd.s32 v7, v26;
	v38 =	vld.idx.msk [tilespmem:v57+s16+$0x0], $0xffff  }
0x81: {  	v22 =	vadd.f32 $0.0e+00, v22;
	v41 =	vmul.f32 v62, v30;
	v27 =	vadd.f32 v27, v37;
	v37 =	vld.idx.msk [tilespmem:v58+s16+$0x0], $0xffff  }
0x82: {  	v40 =	vmul.f32 v40, v30;
	v36 =	vadd.f32 v42, v36;
	v60 =	vmul.f32 v48, v31;
	v42 =	vld.idx.msk [tilespmem:v59+s16+$0x0], $0xffff  }
0x83: {  	v35 =	vadd.f32 v41, v35;
	v62 =	vmul.f32 v47, v31;
	v56 =	vmul.f32 v51, v32;
	v51 =	vld.idx.msk [tilespmem:v55+s16+$0x0], $0xffff  }
0x84: {  	v36 =	vadd.f32 v60, v36;
	v60 =	vadd.s32 v3, v21;
	v28 =	vmul.f32 v28, v32;
	v41 =	vld.idx.msk [tilespmem:v63+s16+$0x0], $0xffff  }
0x85: {  	v39 =	vmul.f32 v39, v30;
	v35 =	vadd.f32 v62, v35;
	v62 =	vadd.s32 v4, v21;
	v26 =	vld.idx.msk [tilespmem:v26+s16+$0x0], $0xffff  }
0x86: {  	v25 =	vmul.f32 v25, v30;
	v57 =	vadd.s32 v1, v21;
	v28 =	vadd.f32 v28, v36;
	v36 =	vld.idx.msk [tilespmem:v61+s16+$0x0], $0xffff;
	_ =	swait.ge [sflag:s25], $0x3200  }
0x87: {  	v24 =	vmul.f32 v24, v30;
	v34 =	vadd.f32 v40, v34;
	v58 =	vadd.s32 v2, v21;
	[sflag:s25] =	ssyncset.done $0x0  }
0x88: {  	v33 =	vadd.f32 v39, v33;
	v23 =	vadd.f32 v25, v23;
	v63 =	vadd.s32 v5, v21;
	[sflag:s25] =	ssyncadd.s32 $0xFFFFCE00  }
0x89: {  	v22 =	vadd.f32 v24, v22;
	v59 =	vmul.f32 v53, v32;
	v53 =	vadd.s32 v6, v21;
	v30 =	vld.idx.msk [tilespmem:v60+s18+$0x0], $0xffff  }
0x8a: {  	v54 =	vmul.f32 v54, v32;
	v21 =	vadd.s32 v7, v21;
	v55 =	vmul.f32 v43, v31;
	v43 =	vld.idx.msk [tilespmem:v62+s18+$0x0], $0xffff  }
0x8b: {  	v27 =	vadd.f32 v56, v27;
	v56 =	vmul.f32 v46, v31;
	v61 =	vmul.f32 v45, v31;
	v29 =	vld.idx.msk [tilespmem:v57+s18+$0x0], $0xffff  }
0x8c: {  	v35 =	vadd.f32 v54, v35;
	v54 =	vmul.f32 v52, v32;
	v31 =	vmul.f32 v44, v31;
	v46 =	vld.idx.msk [tilespmem:v58+s18+$0x0], $0xffff  }
0x8d: {  	v23 =	vadd.f32 v55, v23;
	v34 =	vadd.f32 v56, v34;
	v56 =	vadd.s32 v1, v20;
	v24 =	vld.idx.msk [tilespmem:v63+s18+$0x0], $0xffff  }
0x8e: {  	v55 =	vadd.s32 v1, v18;
	v33 =	vadd.f32 v61, v33;
	v61 =	vadd.s32 v4, v20;
	v25 =	vld.idx.msk [tilespmem:v53+s18+$0x0], $0xffff  }
0x8f: {  	v22 =	vadd.f32 v31, v22;
	v60 =	vadd.s32 v3, v20;
	v34 =	vadd.f32 v59, v34;
	v21 =	vld.idx.msk [tilespmem:v21+s18+$0x0], $0xffff;
	_ =	swait.ge [sflag:s26], $0x3200  }
0x90: {  	v33 =	vadd.f32 v54, v33;
	v57 =	vmul.f32 v49, v32;
	v58 =	vadd.s32 v2, v20;
	[sflag:s26] =	ssyncset.done $0x0  }
0x91: {  	v59 =	vmul.f32 v50, v32;
	v38 =	vmul.f32 v38, v19;
	v63 =	vadd.s32 v5, v20;
	[sflag:s26] =	ssyncadd.s32 $0xFFFFCE00  }
0x92: {  	v62 =	vmul.f32 v37, v19;
	v48 =	vmul.f32 v42, v19;
	v49 =	vadd.s32 v6, v20;
	v39 =	vld.idx.msk [tilespmem:v56+s20+$0x0], $0xffff  }
0x93: {  	v50 =	vmul.f32 v51, v19;
	v20 =	vadd.s32 v7, v20;
	v51 =	vmul.f32 v41, v19;
	v52 =	vld.idx.msk [tilespmem:v61+s20+$0x0], $0xffff  }
0x94: {  	v36 =	vmul.f32 v36, v19;
	v23 =	vadd.f32 v57, v23;
	v22 =	vadd.f32 v59, v22;
	v32 =	vld.idx.msk [tilespmem:v60+s20+$0x0], $0xffff  }
0x95: {  	v19 =	vmul.f32 v26, v19;
	v33 =	vadd.f32 v48, v33;
	v31 =	vadd.f32 v50, v34;
	v44 =	vld.idx.msk [tilespmem:v58+s20+$0x0], $0xffff  }
0x96: {  	v28 =	vadd.f32 v51, v28;
	v57 =	vadd.s32 v2, v18;
	v35 =	vadd.f32 v36, v35;
	v53 =	vld.idx.msk [tilespmem:v63+s20+$0x0], $0xffff  }
0x97: {  	v19 =	vadd.f32 v19, v27;
	v23 =	vadd.f32 v38, v23;
	v54 =	vmul.f32 v29, v17;
	v29 =	vld.idx.msk [tilespmem:v49+s20+$0x0], $0xffff  }
0x98: {  	v22 =	vadd.f32 v62, v22;
	v30 =	vmul.f32 v30, v17;
	v60 =	vadd.s32 v4, v18;
	v20 =	vld.idx.msk [tilespmem:v20+s20+$0x0], $0xffff;
	_ =	swait.ge [sflag:s28], $0x3200  }
0x99: {  	v61 =	vmul.f32 v43, v17;
	v62 =	vadd.s32 v5, v18;
	v56 =	vmul.f32 v46, v17;
	[sflag:s28] =	ssyncset.done $0x0  }
0x9a: {  	v58 =	vadd.s32 v3, v18;
	v24 =	vmul.f32 v24, v17;
	v25 =	vmul.f32 v25, v17;
	[sflag:s28] =	ssyncadd.s32 $0xFFFFCE00  }
0x9b: {  	v63 =	vadd.s32 v6, v18;
	v17 =	vmul.f32 v21, v17;
	v59 =	vadd.f32 v30, v33;
	v37 =	vld.idx.msk [tilespmem:v55+s22+$0x0], $0xffff  }
0x9c: {  	v18 =	vadd.s32 v7, v18;
	v31 =	vadd.f32 v61, v31;
	v23 =	vadd.f32 v54, v23;
	v45 =	vld.idx.msk [tilespmem:v57+s22+$0x0], $0xffff  }
0x9d: {  	v22 =	vadd.f32 v56, v22;
	v24 =	vadd.f32 v24, v35;
	v46 =	vmul.f32 v39, v16;
	v30 =	vld.idx.msk [tilespmem:v60+s22+$0x0], $0xffff  }
0x9e: {  	v25 =	vadd.f32 v25, v28;
	v17 =	vadd.f32 v17, v19;
	v49 =	vmul.f32 v52, v16;
	v50 =	vld.idx.msk [tilespmem:v62+s22+$0x0], $0xffff  }
0x9f: {  	v48 =	vmul.f32 v32, v16;
	v26 =	vld.idx.msk [tilespmem:v58+s22+$0x0], $0xffff;
	v47 =	vmul.f32 v44, v16;
	v23 =	vadd.f32 v46, v23  }
0xa0: {  	v51 =	vmul.f32 v53, v16;
	v53 =	vld.idx.msk [tilespmem:v63+s22+$0x0], $0xffff;
	v54 =	vadd.f32 v49, v31;
	v52 =	vmul.f32 v37, v15  }
0xa1: {  	v18 =	vld.idx.msk [tilespmem:v18+s22+$0x0], $0xffff;
	v56 =	vmul.f32 v29, v16;
	v19 =	vadd.f32 v47, v22;
	v21 =	vmul.f32 v45, v15  }
0xa2: {  	v27 =	vadd.f32 v48, v59;
	v57 =	vmul.f32 v30, v15;
	v23 =	vadd.f32 v52, v23  }
0xa3: {  	v22 =	vadd.f32 v51, v24;
	v59 =	vmul.f32 v50, v15;
	v19 =	vadd.f32 v21, v19  }
0xa4: {  	v16 =	vmul.f32 v20, v16;
	v55 =	vmul.f32 v26, v15;
	v21 =	vadd.f32 v57, v54;
	[tilespmem:$0x10580] =	vst v23  }
0xa5: {  	v60 =	vadd.f32 v56, v25;
	v61 =	vmul.f32 v53, v15;
	v62 =	vadd.f32 v59, v22;
	[tilespmem:$0x10590] =	vst v19  }
0xa6: {  	v16 =	vadd.f32 v16, v17;
	v15 =	vmul.f32 v18, v15;
	v58 =	vadd.f32 v55, v27;
	[tilespmem:$0x105B0] =	vst v21  }
0xa7: {  	v63 =	vadd.f32 v61, v60;
	[tilespmem:$0x105C0] =	vst v62  }
0xa8: {  	v15 =	vadd.f32 v15, v16;
	[tilespmem:$0x105A0] =	vst v58  }
0xa9: {  	[tilespmem:$0x105D0] =	vst v63  }
0xaa: {  	[tilespmem:$0x105D4] =	vst v15  }
0xab: {  	[spmem:s9] =	stream.linear.scatter [tilespmem:s29], [sflag:$0x6], $0x80, $0x38;
	[tilespmem:$0x11080] =	vst v63  }
.Ltmp2:
0xac: {  	_ =	swait.ge [sflag:s12], $0x80;
	(pc) =	sbr.rel @p0 .LBB2_3-.Ltmp2, $3  }
0xad: {  	[sflag:s12] =	ssyncset.done $0x0  }
0xae: {  	[sflag:s12] =	ssyncadd.s32 $0xFFFFFF80  }
0xaf: {  	[bflag:$0x0] =	sbarrier.arrive $0xFFFF;
	_ =	sdelay $0x1  }
0xb0: {  	s1 =	rddreg [dreg:$0x6];
	s2 =	simm.s32 $0x10600  }
0xb1: {  	[tilespmem:s2], [sflag:$0x6] =	stream.linear.gather [spmem:s1], $0x800, $0x38;
	[tilespmem:$0x11080] =	vst v63  }
0xb2: {  	_ =	swait.ge [sflag:s12], $0x800  }
0xb3: {  	[sflag:s12] =	ssyncset.done $0x0  }
0xb4: {  	[sflag:s12] =	ssyncadd.s32 $0xFFFFF800  }
0xb5: {  	s30 =	simm.s32 $0x100;
	s4 =	rddreg [dreg:$0x2]  }
0xb6: {  	[tilespmem:s30], [sflag:$0x6] =	stream.linear.gather [hbm4b:s4+s5], $0x80, $0x38;
	[tilespmem:$0x11080] =	vst v63  }
0xb7: {  	_ =	swait.ge [sflag:s12], $0x80  }
0xb8: {  	[sflag:s12] =	ssyncset.done $0x0  }
0xb9: {  	[sflag:s12] =	ssyncadd.s32 $0xFFFFFF80  }
0xba: {  	_ =	swait.ge [sflag:s0], $0x3200  }
0xbb: {  	[sflag:s0] =	ssyncset.done $0x0  }
0xbc: {  	[sflag:s0] =	ssyncadd.s32 $0xFFFFCE00  }
0xbd: {  	v15 =	vld [tilespmem:$0x10600]  }
0xbe: {  	v16 =	vld [tilespmem:$0x10680]  }
0xbf: {  	v17 =	vld [tilespmem:$0x100]  }
0xc0: {  	v18 =	vld [tilespmem:$0x10700]  }
0xc1: {  	v19 =	vld [tilespmem:$0x10780]  }
0xc2: {  	v20 =	vld [tilespmem:$0x10800]  }
0xc3: {  	v58 =	vld [tilespmem:$0x10880]  }
0xc4: {  	v21 =	vld [tilespmem:$0x10900]  }
0xc5: {  	v59 =	vld [tilespmem:$0x10980]  }
0xc6: {  	v22 =	vld [tilespmem:$0x10A00]  }
0xc7: {  	v60 =	vld [tilespmem:$0x10A80]  }
0xc8: {  	v23 =	vld [tilespmem:$0x10B00]  }
0xc9: {  	v61 =	vld [tilespmem:$0x10B80]  }
0xca: {  	v24 =	vld [tilespmem:$0x10C00]  }
0xcb: {  	v62 =	vld [tilespmem:$0x10C80]  }
0xcc: {  	v25 =	vld [tilespmem:$0x10D00]  }
0xcd: {  	v63 =	vld [tilespmem:$0x10610];
	v15 =	vadd.f32 $0.0e+00, v15  }
0xce: {  	v26 =	vld [tilespmem:$0x10D80]  }
0xcf: {  	v30 =	vld [tilespmem:$0x10690];
	v15 =	vadd.f32 v16, v15  }
0xd0: {  	v27 =	vld.idx.msk [tilespmem:v14+s6+$0x0], $0xffff  }
0xd1: {  	v32 =	vld [tilespmem:$0x10710];
	v15 =	vadd.f32 v18, v15  }
0xd2: {  	v33 =	vld [tilespmem:$0x10790]  }
0xd3: {  	v34 =	vld [tilespmem:$0x10810];
	v15 =	vadd.f32 v19, v15  }
0xd4: {  	v35 =	vld [tilespmem:$0x10890]  }
0xd5: {  	v36 =	vld [tilespmem:$0x10910];
	v15 =	vadd.f32 v20, v15  }
0xd6: {  	v37 =	vld [tilespmem:$0x10620]  }
0xd7: {  	v38 =	vld [tilespmem:$0x10990];
	v15 =	vadd.f32 v58, v15  }
0xd8: {  	v39 =	vld [tilespmem:$0x106A0]  }
0xd9: {  	v40 =	vld [tilespmem:$0x10A10];
	v15 =	vadd.f32 v21, v15;
	v21 =	vadd.f32 $0.0e+00, v63  }
0xda: {  	v41 =	vld [tilespmem:$0x10720]  }
0xdb: {  	v42 =	vld [tilespmem:$0x10A90];
	v15 =	vadd.f32 v59, v15;
	v18 =	vadd.f32 v30, v21  }
0xdc: {  	v43 =	vld [tilespmem:$0x107A0]  }
0xdd: {  	v44 =	vld [tilespmem:$0x10B10];
	v31 =	vadd.f32 v22, v15;
	v15 =	vadd.f32 v32, v18  }
0xde: {  	v45 =	vld [tilespmem:$0x10820]  }
0xdf: {  	v47 =	vld [tilespmem:$0x10B90];
	v15 =	vadd.f32 v33, v15  }
0xe0: {  	v48 =	vld [tilespmem:$0x108A0];
	v18 =	vadd.f32 $0.0e+00, v37  }
0xe1: {  	v50 =	vld [tilespmem:$0x10C10];
	v15 =	vadd.f32 v34, v15  }
0xe2: {  	v51 =	vld [tilespmem:$0x10920];
	v18 =	vadd.f32 v39, v18  }
0xe3: {  	v52 =	vld [tilespmem:$0x10C90];
	v14 =	vadd.f32 v60, v31;
	v15 =	vadd.f32 v35, v15  }
0xe4: {  	v53 =	vld [tilespmem:$0x109A0];
	v18 =	vadd.f32 v41, v18  }
0xe5: {  	v55 =	vld [tilespmem:$0x10D10];
	v14 =	vadd.f32 v23, v14;
	v15 =	vadd.f32 v36, v15  }
0xe6: {  	v56 =	vld [tilespmem:$0x10A20];
	v18 =	vadd.f32 v43, v18  }
0xe7: {  	v57 =	vld [tilespmem:$0x10D90];
	v14 =	vadd.f32 v61, v14;
	v15 =	vadd.f32 v38, v15  }
0xe8: {  	v28 =	vld [tilespmem:$0x10830];
	v18 =	vadd.f32 v45, v18  }
0xe9: {  	v29 =	vld [tilespmem:$0x10DA0];
	v14 =	vadd.f32 v24, v14;
	v15 =	vadd.f32 v40, v15  }
0xea: {  	v58 =	vld [tilespmem:$0x10AA0];
	v18 =	vadd.f32 v48, v18  }
0xeb: {  	v63 =	vld [tilespmem:$0x10C20];
	v14 =	vadd.f32 v62, v14;
	v15 =	vadd.f32 v42, v15  }
0xec: {  	v59 =	vld [tilespmem:$0x10B20];
	v18 =	vadd.f32 v51, v18  }
0xed: {  	v60 =	vld [tilespmem:$0x10630];
	v14 =	vadd.f32 v25, v14;
	v15 =	vadd.f32 v44, v15  }
0xee: {  	v30 =	vld [tilespmem:$0x108B0];
	v16 =	vadd.f32 v53, v18  }
0xef: {  	v37 =	vld [tilespmem:$0x10B30];
	v46 =	vadd.f32 v26, v14;
	v15 =	vadd.f32 v47, v15  }
0xf0: {  	v62 =	vld [tilespmem:$0x106B0];
	v16 =	vadd.f32 v56, v16  }
0xf1: {  	v61 =	vld [tilespmem:$0x10BA0];
	v14 =	vmul.f32 v17, v0;
	v49 =	vmul.f32 $9.999999770e-03, v46;
	v15 =	vadd.f32 v50, v15  }
0xf2: {  	v19 =	vadd.f32 $0.0e+00, v60;
	v24 =	vld [tilespmem:$0x10730];
	v16 =	vadd.f32 v58, v16  }
0xf3: {  	v33 =	vld [tilespmem:$0x10930];
	v17 =	vadd.f32 v49, v14;
	v15 =	vadd.f32 v52, v15  }
0xf4: {  	v26 =	vld [tilespmem:$0x107B0];
	v16 =	vadd.f32 v59, v16  }
0xf5: {  	v25 =	vld [tilespmem:$0x10CA0];
	v54 =	vmul.f32 v17, v27;
	[tilespmem:$0x10F00] =	vst v17;
	v17 =	vadd.f32 v62, v19;
	v15 =	vadd.f32 v55, v15  }
0xf6: {  	[tilespmem:$0x10E00] =	vst v27;
	v34 =	vld [tilespmem:$0x109B0];
	v16 =	vadd.f32 v61, v16  }
0xf7: {  	v27 =	vld [tilespmem:$0x10D20];
	[tilespmem:$0x10E80] =	vst v54;
	v17 =	vadd.f32 v24, v17;
	v15 =	vadd.f32 v57, v15  }
0xf8: {  	v13 =	vld.idx.msk [tilespmem:v13+s6+$0x0], $0xffff;
	v16 =	vadd.f32 v63, v16  }
0xf9: {  	v35 =	vld [tilespmem:$0x10A30];
	v17 =	vadd.f32 v26, v17;
	v15 =	vmul.f32 $9.999999770e-03, v15  }
0xfa: {  	v43 =	vld [tilespmem:$0x10D30];
	v16 =	vadd.f32 v25, v16  }
0xfb: {  	v60 =	vld [tilespmem:$0x106D0];
	v17 =	vadd.f32 v28, v17;
	v15 =	vadd.f32 v15, v14  }
0xfc: {  	v36 =	vld [tilespmem:$0x10AB0]  }
0xfd: {  	v45 =	vld [tilespmem:$0x10640];
	[tilespmem:$0x10E10] =	vst v13;
	v32 =	vadd.f32 v27, v16;
	v17 =	vadd.f32 v30, v17;
	v31 =	vmul.f32 v15, v13  }
0xfe: {  	v38 =	vld [tilespmem:$0x10BB0];
	[tilespmem:$0x10F10] =	vst v15  }
0xff: {  	v48 =	vld [tilespmem:$0x107C0];
	v16 =	vadd.f32 v33, v17;
	v13 =	vadd.f32 v29, v32;
	[tilespmem:$0x10E90] =	vst v31  }
0x100: {  	v12 =	vld.idx.msk [tilespmem:v12+s6+$0x0], $0xffff  }
0x101: {  	v40 =	vld [tilespmem:$0x10C30];
	v15 =	vadd.f32 v34, v16;
	v13 =	vmul.f32 $9.999999770e-03, v13  }
0x102: {  	v51 =	vld [tilespmem:$0x10940]  }
0x103: {  	v42 =	vld [tilespmem:$0x10CB0];
	v41 =	vadd.f32 v35, v15;
	v13 =	vadd.f32 v13, v14  }
0x104: {  	v53 =	vld [tilespmem:$0x10A40]  }
0x105: {  	v44 =	vld [tilespmem:$0x10DB0];
	v39 =	vmul.f32 v13, v12;
	[tilespmem:$0x10E20] =	vst v12;
	v12 =	vadd.f32 v36, v41  }
0x106: {  	v46 =	vld [tilespmem:$0x106C0]  }
0x107: {  	v56 =	vld [tilespmem:$0x10BC0];
	v12 =	vadd.f32 v37, v12  }
0x108: {  	v47 =	vld [tilespmem:$0x10740]  }
0x109: {  	v49 =	vld [tilespmem:$0x10840];
	v12 =	vadd.f32 v38, v12  }
0x10a: {  	v58 =	vld [tilespmem:$0x10650]  }
0x10b: {  	v50 =	vld [tilespmem:$0x108C0];
	v12 =	vadd.f32 v40, v12  }
0x10c: {  	v59 =	vld [tilespmem:$0x10CC0]  }
0x10d: {  	v52 =	vld [tilespmem:$0x109C0];
	v17 =	vadd.f32 $0.0e+00, v45;
	v12 =	vadd.f32 v42, v12  }
0x10e: {  	v54 =	vld [tilespmem:$0x10AC0]  }
0x10f: {  	v55 =	vld [tilespmem:$0x10B40];
	v17 =	vadd.f32 v46, v17;
	v12 =	vadd.f32 v43, v12  }
0x110: {  	v63 =	vld [tilespmem:$0x10750];
	[tilespmem:$0x10F20] =	vst v13  }
0x111: {  	v57 =	vld [tilespmem:$0x10C40];
	v16 =	vadd.f32 v47, v17;
	[tilespmem:$0x10EA0] =	vst v39;
	v12 =	vadd.f32 v44, v12  }
0x112: {  	v11 =	vld.idx.msk [tilespmem:v11+s6+$0x0], $0xffff  }
0x113: {  	v28 =	vld [tilespmem:$0x10D40];
	v16 =	vadd.f32 v48, v16;
	v12 =	vmul.f32 $9.999999770e-03, v12  }
0x114: {  	v27 =	vld [tilespmem:$0x10DC0];
	v17 =	vadd.f32 $0.0e+00, v58  }
0x115: {  	v30 =	vld [tilespmem:$0x10850];
	v62 =	vadd.f32 v49, v16;
	v12 =	vadd.f32 v12, v14  }
0x116: {  	v29 =	vld [tilespmem:$0x107D0]  }
0x117: {  	v31 =	vld [tilespmem:$0x10654];
	v17 =	vadd.f32 v60, v17;
	[tilespmem:$0x10E30] =	vst v11;
	v61 =	vmul.f32 v12, v11;
	v11 =	vadd.f32 v50, v62  }
0x118: {  	v33 =	vld [tilespmem:$0x106D4]  }
0x119: {  	v45 =	vld [tilespmem:$0x10BD0];
	v16 =	vadd.f32 v63, v17;
	v11 =	vadd.f32 v51, v11  }
0x11a: {  	v32 =	vld [tilespmem:$0x108D0]  }
0x11b: {  	v35 =	vld [tilespmem:$0x10754];
	[tilespmem:$0x10F30] =	vst v12;
	v12 =	vadd.f32 v29, v16;
	v11 =	vadd.f32 v52, v11  }
0x11c: {  	v34 =	vld [tilespmem:$0x10950];
	v17 =	vadd.f32 $0.0e+00, v31  }
0x11d: {  	v37 =	vld [tilespmem:$0x107D4];
	v12 =	vadd.f32 v30, v12;
	v11 =	vadd.f32 v53, v11  }
0x11e: {  	v36 =	vld [tilespmem:$0x109D0];
	v38 =	vadd.f32 v33, v17  }
0x11f: {  	v40 =	vld [tilespmem:$0x10854];
	v12 =	vadd.f32 v32, v12;
	v11 =	vadd.f32 v54, v11  }
0x120: {  	v39 =	vld [tilespmem:$0x10A50];
	v13 =	vadd.f32 v35, v38  }
0x121: {  	v42 =	vld [tilespmem:$0x108D4];
	v12 =	vadd.f32 v34, v12;
	v11 =	vadd.f32 v55, v11  }
0x122: {  	v41 =	vld [tilespmem:$0x10AD0];
	v13 =	vadd.f32 v37, v13  }
0x123: {  	v44 =	vld [tilespmem:$0x10954];
	v12 =	vadd.f32 v36, v12;
	v11 =	vadd.f32 v56, v11  }
0x124: {  	v43 =	vld [tilespmem:$0x10B50];
	v13 =	vadd.f32 v40, v13  }
0x125: {  	v46 =	vld [tilespmem:$0x109D4];
	v12 =	vadd.f32 v39, v12;
	v11 =	vadd.f32 v57, v11  }
0x126: {  	v47 =	vld [tilespmem:$0x10C50];
	v13 =	vadd.f32 v42, v13  }
0x127: {  	v48 =	vld [tilespmem:$0x10A54];
	v12 =	vadd.f32 v41, v12;
	v11 =	vadd.f32 v59, v11  }
0x128: {  	v49 =	vld [tilespmem:$0x10CD0];
	v13 =	vadd.f32 v44, v13  }
0x129: {  	v50 =	vld [tilespmem:$0x10AD4];
	v12 =	vadd.f32 v43, v12;
	v11 =	vadd.f32 v28, v11  }
0x12a: {  	v13 =	vadd.f32 v46, v13;
	[tilespmem:$0x10EB0] =	vst v61;
	v51 =	vld [tilespmem:$0x10D50]  }
0x12b: {  	v10 =	vld.idx.msk [tilespmem:v10+s6+$0x0], $0xffff;
	v12 =	vadd.f32 v45, v12;
	v11 =	vadd.f32 v27, v11  }
0x12c: {  	v13 =	vadd.f32 v48, v13;
	v52 =	vld [tilespmem:$0x10B54]  }
0x12d: {  	v53 =	vld [tilespmem:$0x10DD0];
	v12 =	vadd.f32 v47, v12;
	v11 =	vmul.f32 $9.999999770e-03, v11  }
0x12e: {  	v13 =	vadd.f32 v50, v13;
	v54 =	vld [tilespmem:$0x10BD4]  }
0x12f: {  	v12 =	vadd.f32 v49, v12;
	v11 =	vadd.f32 v11, v14  }
0x130: {  	v57 =	vld [tilespmem:$0x10C54]  }
0x131: {  	[tilespmem:$0x10E40] =	vst v10;
	v13 =	vadd.f32 v52, v13;
	v56 =	vadd.f32 v51, v12;
	v55 =	vmul.f32 v11, v10  }
0x132: {  	v58 =	vld [tilespmem:$0x10CD4];
	[tilespmem:$0x10F40] =	vst v11  }
0x133: {  	v13 =	vadd.f32 v54, v13;
	v59 =	vld [tilespmem:$0x10D54];
	v10 =	vadd.f32 v53, v56;
	[tilespmem:$0x10EC0] =	vst v55  }
0x134: {  	v9 =	vld.idx.msk [tilespmem:v9+s6+$0x0], $0xffff  }
0x135: {  	v12 =	vadd.f32 v57, v13;
	v10 =	vmul.f32 $9.999999770e-03, v10  }
0x136: {  	v60 =	vld [tilespmem:$0x10DD4]  }
0x137: {  	v11 =	vadd.f32 v58, v12;
	v10 =	vadd.f32 v10, v14;
	_ =	sdelay $0x1  }
0x138: {  	v62 =	vadd.f32 v59, v11;
	[tilespmem:$0x10F50] =	vst v10;
	v61 =	vmul.f32 v10, v9  }
0x139: {  	[tilespmem:$0x10E50] =	vst v9  }
0x13a: {  	v9 =	vadd.f32 v60, v62;
	[tilespmem:$0x10ED0] =	vst v61  }
0x13b: {  	v8 =	vld.idx.msk [tilespmem:v8+s6+$0x0], $0xffff  }
0x13c: {  	v9 =	vmul.f32 $9.999999770e-03, v9;
	_ =	sdelay $0x1  }
0x13d: {  	v9 =	vadd.f32 v9, v14;
	_ =	sdelay $0x1  }
0x13e: {  	[tilespmem:$0x10F54] =	vst v9;
	v63 =	vmul.f32 v9, v8  }
0x13f: {  	[tilespmem:$0x10E54] =	vst v8  }
.Ltmp3:
0x140: {  	s31 =	simm.s32 $0x10E00;
	[tilespmem:$0x10ED4] =	vst v63;
	(pc) =	sbr.rel .LBB2_3-.Ltmp3, $4  }
0x141: {  	[hbm4b:s10+s5] =	stream.linear.scatter [tilespmem:s31], [sflag:$0x6], $0x180, $0x38;
	[tilespmem:$0x11080] =	vst v63  }
0x142: {  	_ =	swait.ge [sflag:s12], $0x180  }
0x143: {  	[sflag:s12] =	ssyncset.done $0x0  }
0x144: {  	[sflag:s12] =	ssyncadd.s32 $0xFFFFFE80  }
.LBB2_4:
0x145: {  	_ =	sfence.sel $0x180000  }
0x146: {  	[bflag:$0x0] =	sbarrier.arrive $0xFFFF  }
0x147: {  	_ =	strace $0x90000047  }
0x148: {  	s0 =	stileid.u32;
	[bflag:$0x2] =	sbarrier.arrive $0xFFFF  }
0x149: {  	p0 =	sne.s32 s0, $0x0;
	s0 =	rddreg [dreg:$0x7]  }
0x14a: {  	s0 =	sadd.s32 @!p0 $0x100000, s0  }
0x14b: {  	[sflag:s0] =	ssyncadd.tile.s32 @!p0 $0x1;
	_ =	shalt  }
.Lfunc_end2:
_tile_overlayer_lowered:
.L_overlay_start_2:
0x14c: {  	(tag) =	ssettag $0x2  }
0x14d: {  	s0 =	rddreg [dreg:$0x0];
	s2 =	stileid.u32  }
0x14e: {  	s1 =	rddreg [dreg:$0x1];
	p0 =	sne.s32 s2, $0x0  }
0x14f: {  	s3 =	rddreg [dreg:$0x2];
	[bflag:$0x3] =	sbarrier.arrive $0xFFFF;
	s2 =	simm.s32 @!p0 $0x1C06  }
0x150: {  	[timem:s3], [sflag:s2] =	dma.local @!p0 [hbm:s0], s1  }
0x151: {  	s0 =	simm.s32 @!p0 $0x6  }
0x152: {  	_ =	swait.ge @!p0 [sflag:s0], s1  }
0x153: {  	s1 =	ssub.s32 @!p0 $0x0, s1;
	[sflag:s0] =	ssyncset.done @!p0 $0x0  }
0x154: {  	[sflag:s0] =	ssyncadd.s32 @!p0 s1  }
0x155: {  	[bflag:$0x3] =	sbarrier.arrive $0xFFFF  }
0x156: {  	_ =	shalt  }

</sc_bundles>
